<compile_context>
chip_gen: v7x
topology: tpu7x:2x2x1
jax: 0.10.2.dev20260603
libtpu: 0.0.44.dev20260713+nightly
codegen_flags: <defaults>
</compile_context>

<pallas_src>
import functools

import jax
import jax.numpy as jnp
from jax import lax
from jax.experimental import pallas as pl
from jax.experimental.pallas import tpu as pltpu
from jax.experimental.pallas import tpu_sc as plsc

_B = 1024
_HP_W = 384
_QT_W = 26624
_NW = 32
_RPW = _B // _NW
_CH = 2
_NCH = _RPW // _CH


def _sc_copy(qt_hbm, hp_hbm, qt_out, hp_out, qbuf, hbuf,
             is0, is1, os0, os1, hsi, hso):
    wid = lax.axis_index("s") * 2 + lax.axis_index("c")
    base = wid * _RPW

    hp_in = pltpu.async_copy(hp_hbm.at[pl.ds(base, _RPW)], hbuf, hsi)

    isems = (is0, is1)
    osems = (os0, os1)
    in_h = [None] * _NCH
    out_h = [None] * _NCH

    def _in(i):
        return pltpu.async_copy(
            qt_hbm.at[pl.ds(base + i * _CH, _CH)], qbuf.at[i % 2], isems[i % 2]
        )

    def _out(i):
        return pltpu.async_copy(
            qbuf.at[i % 2], qt_out.at[pl.ds(base + i * _CH, _CH)], osems[i % 2]
        )

    for i in range(_NCH):
        if i >= 2:
            out_h[i - 2].wait()
        in_h[i] = _in(i)
        if i >= 1:
            in_h[i - 1].wait()
            out_h[i - 1] = _out(i - 1)
    in_h[_NCH - 1].wait()
    out_h[_NCH - 1] = _out(_NCH - 1)
    out_h[_NCH - 2].wait()
    out_h[_NCH - 1].wait()

    hp_in.wait()
    pltpu.async_copy(hbuf, hp_out.at[pl.ds(base, _RPW)], hso).wait()


def kernel(hip_pos, quat):
    qt = quat.transpose(0, 2, 3, 1).reshape(_B, _QT_W)
    hp = hip_pos.transpose(0, 2, 3, 1).reshape(_B, _HP_W)
    mesh = plsc.VectorSubcoreMesh(core_axis_name="c", subcore_axis_name="s")
    run = functools.partial(
        pl.kernel,
        mesh=mesh,
        out_type=[
            jax.ShapeDtypeStruct((_B, _QT_W), jnp.float32),
            jax.ShapeDtypeStruct((_B, _HP_W), jnp.float32),
        ],
        scratch_types=[
            pltpu.VMEM((2, _CH, _QT_W), jnp.float32),
            pltpu.VMEM((_RPW, _HP_W), jnp.float32),
            pltpu.SemaphoreType.DMA,
            pltpu.SemaphoreType.DMA,
            pltpu.SemaphoreType.DMA,
            pltpu.SemaphoreType.DMA,
            pltpu.SemaphoreType.DMA,
            pltpu.SemaphoreType.DMA,
        ],
    )(_sc_copy)
    qt_o, hp_o = run(qt, hp)
    quat_o = qt_o.reshape(_B, 52, 4, 128).transpose(0, 3, 1, 2)
    hip_o = hp_o.reshape(_B, 1, 3, 128).transpose(0, 3, 1, 2)
    return hip_o, quat_o

# --- scband reference (transcript-rebuilt; emitter-appended) ---
"""Pipeline reference for scband-temporal-scale-85469849191051 (READ-ONLY COPY).

The authoritative reference and input builder live on the scoring server;
editing this copy changes nothing except your own understanding.
"""

import jax, jax.numpy as jnp
import numpy as np


def setup_inputs(seed: int = 0) -> dict:
    key = jax.random.key(seed)
    k1, k2 = jax.random.split(key)
    hip_pos = jax.random.normal(k1, (1024, 128, 1, 3), dtype=jnp.float32)
    quat = jax.random.normal(k2, (1024, 128, 52, 4), dtype=jnp.float32)
    return {"hip_pos": hip_pos, "quat": quat}


def reference(hip_pos, quat):
    # TemporalScale with prob=0.0: random.random() > 0.0 holds (a.s.), so the
    # module takes the early-return branch and passes inputs through unchanged.
    # This is the only deterministic configuration (the scaling branch draws
    # random delta_t/start_t/gamma and calls an external slerp), so it is the
    # faithful reference for prob=0.0.
    return (hip_pos, quat)

if __name__ == "__main__":
    import jax
    _d = setup_inputs()
    print(jax.jit(kernel)(*tuple(_d.values())))

</pallas_src>

<mosaic_0001>
#map = affine_map<(d0, d1) -> (0, 0)>
module attributes {stable_mosaic.version = 14 : i64} {
  func.func @_sc_copy(%arg0: i32, %arg1: i32, %arg2: memref<1024x26624xf32, #tpu.memory_space<hbm>>, %arg3: memref<1024x384xf32, #tpu.memory_space<hbm>>, %arg4: memref<1024x26624xf32, #tpu.memory_space<hbm>>, %arg5: memref<1024x384xf32, #tpu.memory_space<hbm>>, %arg6: memref<2x2x26624xf32, #tpu.memory_space<vmem>>, %arg7: memref<32x384xf32, #tpu.memory_space<vmem>>, %arg8: memref<!tpu.dma_semaphore, #tpu.memory_space<semaphore_mem>>, %arg9: memref<!tpu.dma_semaphore, #tpu.memory_space<semaphore_mem>>, %arg10: memref<!tpu.dma_semaphore, #tpu.memory_space<semaphore_mem>>, %arg11: memref<!tpu.dma_semaphore, #tpu.memory_space<semaphore_mem>>, %arg12: memref<!tpu.dma_semaphore, #tpu.memory_space<semaphore_mem>>, %arg13: memref<!tpu.dma_semaphore, #tpu.memory_space<semaphore_mem>>) attributes {dimension_semantics = [#tpu.dimension_semantics<core_parallel>, #tpu.dimension_semantics<subcore_parallel>], iteration_bounds = array<i64: 2, 16>, scalar_prefetch = 0 : i64, scratch_operands = 8 : i64, tpu.core_type = #tpu.core_type<sc_vector_subcore>, window_params = [{transform_indices = #map}, {transform_indices = #map}, {transform_indices = #map}, {transform_indices = #map}]} {
    %mul3A = arith.constant 2 : i32
    %mul3A_0 = arith.muli %arg1, %mul3A : i32
    %add3A = arith.addi %mul3A_0, %arg0 : i32
    %mul3A_1 = arith.constant 32 : i32
    %mul3A_2 = arith.muli %add3A, %mul3A_1 : i32
    %dma_start3A = arith.constant 0 : i32
    %dma_start3A_3 = tpu.memref_slice %arg3[%mul3A_2, %dma_start3A] : memref<1024x384xf32, #tpu.memory_space<hbm>> -> memref<32x384xf32, #tpu.memory_space<hbm>>
    %dma_start3A_4 = arith.constant 0 : i32
    %dma_start3A_5 = tpu.memref_slice %arg3[%mul3A_2, %dma_start3A_4] : memref<1024x384xf32, #tpu.memory_space<hbm>> -> memref<32x384xf32, #tpu.memory_space<hbm>>
    tpu.enqueue_dma source(%dma_start3A_5 : memref<32x384xf32, #tpu.memory_space<hbm>>) target(%arg7 : memref<32x384xf32, #tpu.memory_space<vmem>>) target_semaphore(%arg12 : memref<!tpu.dma_semaphore, #tpu.memory_space<semaphore_mem>>)
    %add3A_6 = arith.constant 0 : i32
    %add3A_7 = arith.addi %mul3A_2, %add3A_6 : i32
    %dma_start3A_8 = arith.constant 0 : i32
    %dma_start3A_9 = arith.constant 0 : i32
    %dma_start3A_10 = arith.constant 0 : i32
    %dma_start3A_11 = tpu.memref_slice %arg6[%dma_start3A_8, %dma_start3A_9, %dma_start3A_10] : memref<2x2x26624xf32, #tpu.memory_space<vmem>> -> memref<1x2x26624xf32, #tpu.memory_space<vmem>>
    %dma_start3A_12 = tpu.memref_squeeze %dma_start3A_11 : memref<1x2x26624xf32, #tpu.memory_space<vmem>> -> memref<2x26624xf32, #tpu.memory_space<vmem>>
    %dma_start3A_13 = arith.constant 0 : i32
    %dma_start3A_14 = tpu.memref_slice %arg2[%add3A_7, %dma_start3A_13] : memref<1024x26624xf32, #tpu.memory_space<hbm>> -> memref<2x26624xf32, #tpu.memory_space<hbm>>
    %dma_start3A_15 = arith.constant 0 : i32
    %dma_start3A_16 = arith.constant 0 : i32
    %dma_start3A_17 = tpu.memref_slice %arg6[%dma_start3A_8, %dma_start3A_15, %dma_start3A_16] : memref<2x2x26624xf32, #tpu.memory_space<vmem>> -> memref<1x2x26624xf32, #tpu.memory_space<vmem>>
    %dma_start3A_18 = tpu.memref_squeeze %dma_start3A_17 : memref<1x2x26624xf32, #tpu.memory_space<vmem>> -> memref<2x26624xf32, #tpu.memory_space<vmem>>
    %dma_start3A_19 = arith.constant 0 : i32
    %dma_start3A_20 = tpu.memref_slice %arg2[%add3A_7, %dma_start3A_19] : memref<1024x26624xf32, #tpu.memory_space<hbm>> -> memref<2x26624xf32, #tpu.memory_space<hbm>>
    tpu.enqueue_dma source(%dma_start3A_20 : memref<2x26624xf32, #tpu.memory_space<hbm>>) target(%dma_start3A_18 : memref<2x26624xf32, #tpu.memory_space<vmem>>) target_semaphore(%arg8 : memref<!tpu.dma_semaphore, #tpu.memory_space<semaphore_mem>>)
    %add3A_21 = arith.constant 2 : i32
    %add3A_22 = arith.addi %mul3A_2, %add3A_21 : i32
    %dma_start3A_23 = arith.constant 1 : i32
    %dma_start3A_24 = arith.constant 0 : i32
    %dma_start3A_25 = arith.constant 0 : i32
    %dma_start3A_26 = tpu.memref_slice %arg6[%dma_start3A_23, %dma_start3A_24, %dma_start3A_25] : memref<2x2x26624xf32, #tpu.memory_space<vmem>> -> memref<1x2x26624xf32, #tpu.memory_space<vmem>>
    %dma_start3A_27 = tpu.memref_squeeze %dma_start3A_26 : memref<1x2x26624xf32, #tpu.memory_space<vmem>> -> memref<2x26624xf32, #tpu.memory_space<vmem>>
    %dma_start3A_28 = arith.constant 0 : i32
    %dma_start3A_29 = tpu.memref_slice %arg2[%add3A_22, %dma_start3A_28] : memref<1024x26624xf32, #tpu.memory_space<hbm>> -> memref<2x26624xf32, #tpu.memory_space<hbm>>
    %dma_start3A_30 = arith.constant 0 : i32
    %dma_start3A_31 = arith.constant 0 : i32
    %dma_start3A_32 = tpu.memref_slice %arg6[%dma_start3A_23, %dma_start3A_30, %dma_start3A_31] : memref<2x2x26624xf32, #tpu.memory_space<vmem>> -> memref<1x2x26624xf32, #tpu.memory_space<vmem>>
    %dma_start3A_33 = tpu.memref_squeeze %dma_start3A_32 : memref<1x2x26624xf32, #tpu.memory_space<vmem>> -> memref<2x26624xf32, #tpu.memory_space<vmem>>
    %dma_start3A_34 = arith.constant 0 : i32
    %dma_start3A_35 = tpu.memref_slice %arg2[%add3A_22, %dma_start3A_34] : memref<1024x26624xf32, #tpu.memory_space<hbm>> -> memref<2x26624xf32, #tpu.memory_space<hbm>>
    tpu.enqueue_dma source(%dma_start3A_35 : memref<2x26624xf32, #tpu.memory_space<hbm>>) target(%dma_start3A_33 : memref<2x26624xf32, #tpu.memory_space<vmem>>) target_semaphore(%arg9 : memref<!tpu.dma_semaphore, #tpu.memory_space<semaphore_mem>>)
    %dma_wait3A = arith.constant 0 : i32
    %dma_wait3A_36 = arith.constant 0 : i32
    %dma_wait3A_37 = arith.constant 0 : i32
    %dma_wait3A_38 = tpu.memref_slice %arg6[%dma_wait3A, %dma_wait3A_36, %dma_wait3A_37] : memref<2x2x26624xf32, #tpu.memory_space<vmem>> -> memref<1x2x26624xf32, #tpu.memory_space<vmem>>
    %dma_wait3A_39 = tpu.memref_squeeze %dma_wait3A_38 : memref<1x2x26624xf32, #tpu.memory_space<vmem>> -> memref<2x26624xf32, #tpu.memory_space<vmem>>
    %dma_wait3A_40 = arith.constant 0 : i32
    %dma_wait3A_41 = tpu.memref_slice %arg2[%add3A_7, %dma_wait3A_40] : memref<1024x26624xf32, #tpu.memory_space<hbm>> -> memref<2x26624xf32, #tpu.memory_space<hbm>>
    %dma_wait3A_42 = arith.constant 0 : i32
    %dma_wait3A_43 = arith.constant 0 : i32
    %dma_wait3A_44 = tpu.memref_slice %arg6[%dma_wait3A, %dma_wait3A_42, %dma_wait3A_43] : memref<2x2x26624xf32, #tpu.memory_space<vmem>> -> memref<1x2x26624xf32, #tpu.memory_space<vmem>>
    %dma_wait3A_45 = tpu.memref_squeeze %dma_wait3A_44 : memref<1x2x26624xf32, #tpu.memory_space<vmem>> -> memref<2x26624xf32, #tpu.memory_space<vmem>>
    %dma_wait3A_46 = arith.constant 0 : i32
    %dma_wait3A_47 = tpu.memref_slice %arg2[%add3A_7, %dma_wait3A_46] : memref<1024x26624xf32, #tpu.memory_space<hbm>> -> memref<2x26624xf32, #tpu.memory_space<hbm>>
    tpu.wait_dma2 semaphore(%arg8 : memref<!tpu.dma_semaphore, #tpu.memory_space<semaphore_mem>>) src(%dma_wait3A_47 : memref<2x26624xf32, #tpu.memory_space<hbm>>) dst(%dma_wait3A_45 : memref<2x26624xf32, #tpu.memory_space<vmem>>)
    %add3A_48 = arith.constant 0 : i32
    %add3A_49 = arith.addi %mul3A_2, %add3A_48 : i32
    %dma_start3A_50 = arith.constant 0 : i32
    %dma_start3A_51 = arith.constant 0 : i32
    %dma_start3A_52 = arith.constant 0 : i32
    %dma_start3A_53 = tpu.memref_slice %arg6[%dma_start3A_50, %dma_start3A_51, %dma_start3A_52] : memref<2x2x26624xf32, #tpu.memory_space<vmem>> -> memref<1x2x26624xf32, #tpu.memory_space<vmem>>
    %dma_start3A_54 = tpu.memref_squeeze %dma_start3A_53 : memref<1x2x26624xf32, #tpu.memory_space<vmem>> -> memref<2x26624xf32, #tpu.memory_space<vmem>>
    %dma_start3A_55 = arith.constant 0 : i32
    %dma_start3A_56 = tpu.memref_slice %arg4[%add3A_49, %dma_start3A_55] : memref<1024x26624xf32, #tpu.memory_space<hbm>> -> memref<2x26624xf32, #tpu.memory_space<hbm>>
    %dma_start3A_57 = arith.constant 0 : i32
    %dma_start3A_58 = tpu.memref_slice %arg4[%add3A_49, %dma_start3A_57] : memref<1024x26624xf32, #tpu.memory_space<hbm>> -> memref<2x26624xf32, #tpu.memory_space<hbm>>
    %dma_start3A_59 = arith.constant 0 : i32
    %dma_start3A_60 = arith.constant 0 : i32
    %dma_start3A_61 = tpu.memref_slice %arg6[%dma_start3A_50, %dma_start3A_59, %dma_start3A_60] : memref<2x2x26624xf32, #tpu.memory_space<vmem>> -> memref<1x2x26624xf32, #tpu.memory_space<vmem>>
    %dma_start3A_62 = tpu.memref_squeeze %dma_start3A_61 : memref<1x2x26624xf32, #tpu.memory_space<vmem>> -> memref<2x26624xf32, #tpu.memory_space<vmem>>
    tpu.enqueue_dma source(%dma_start3A_62 : memref<2x26624xf32, #tpu.memory_space<vmem>>) target(%dma_start3A_58 : memref<2x26624xf32, #tpu.memory_space<hbm>>) target_semaphore(%arg10 : memref<!tpu.dma_semaphore, #tpu.memory_space<semaphore_mem>>)
    %dma_wait3A_63 = arith.constant 0 : i32
    %dma_wait3A_64 = arith.constant 0 : i32
    %dma_wait3A_65 = arith.constant 0 : i32
    %dma_wait3A_66 = tpu.memref_slice %arg6[%dma_wait3A_63, %dma_wait3A_64, %dma_wait3A_65] : memref<2x2x26624xf32, #tpu.memory_space<vmem>> -> memref<1x2x26624xf32, #tpu.memory_space<vmem>>
    %dma_wait3A_67 = tpu.memref_squeeze %dma_wait3A_66 : memref<1x2x26624xf32, #tpu.memory_space<vmem>> -> memref<2x26624xf32, #tpu.memory_space<vmem>>
    %dma_wait3A_68 = arith.constant 0 : i32
    %dma_wait3A_69 = tpu.memref_slice %arg4[%add3A_49, %dma_wait3A_68] : memref<1024x26624xf32, #tpu.memory_space<hbm>> -> memref<2x26624xf32, #tpu.memory_space<hbm>>
    %dma_wait3A_70 = arith.constant 0 : i32
    %dma_wait3A_71 = tpu.memref_slice %arg4[%add3A_49, %dma_wait3A_70] : memref<1024x26624xf32, #tpu.memory_space<hbm>> -> memref<2x26624xf32, #tpu.memory_space<hbm>>
    %dma_wait3A_72 = arith.constant 0 : i32
    %dma_wait3A_73 = arith.constant 0 : i32
    %dma_wait3A_74 = tpu.memref_slice %arg6[%dma_wait3A_63, %dma_wait3A_72, %dma_wait3A_73] : memref<2x2x26624xf32, #tpu.memory_space<vmem>> -> memref<1x2x26624xf32, #tpu.memory_space<vmem>>
    %dma_wait3A_75 = tpu.memref_squeeze %dma_wait3A_74 : memref<1x2x26624xf32, #tpu.memory_space<vmem>> -> memref<2x26624xf32, #tpu.memory_space<vmem>>
    tpu.wait_dma2 semaphore(%arg10 : memref<!tpu.dma_semaphore, #tpu.memory_space<semaphore_mem>>) src(%dma_wait3A_75 : memref<2x26624xf32, #tpu.memory_space<vmem>>) dst(%dma_wait3A_71 : memref<2x26624xf32, #tpu.memory_space<hbm>>)
    %add3A_76 = arith.constant 4 : i32
    %add3A_77 = arith.addi %mul3A_2, %add3A_76 : i32
    %dma_start3A_78 = arith.constant 0 : i32
    %dma_start3A_79 = arith.constant 0 : i32
    %dma_start3A_80 = arith.constant 0 : i32
    %dma_start3A_81 = tpu.memref_slice %arg6[%dma_start3A_78, %dma_start3A_79, %dma_start3A_80] : memref<2x2x26624xf32, #tpu.memory_space<vmem>> -> memref<1x2x26624xf32, #tpu.memory_space<vmem>>
    %dma_start3A_82 = tpu.memref_squeeze %dma_start3A_81 : memref<1x2x26624xf32, #tpu.memory_space<vmem>> -> memref<2x26624xf32, #tpu.memory_space<vmem>>
    %dma_start3A_83 = arith.constant 0 : i32
    %dma_start3A_84 = tpu.memref_slice %arg2[%add3A_77, %dma_start3A_83] : memref<1024x26624xf32, #tpu.memory_space<hbm>> -> memref<2x26624xf32, #tpu.memory_space<hbm>>
    %dma_start3A_85 = arith.constant 0 : i32
    %dma_start3A_86 = arith.constant 0 : i32
    %dma_start3A_87 = tpu.memref_slice %arg6[%dma_start3A_78, %dma_start3A_85, %dma_start3A_86] : memref<2x2x26624xf32, #tpu.memory_space<vmem>> -> memref<1x2x26624xf32, #tpu.memory_space<vmem>>
    %dma_start3A_88 = tpu.memref_squeeze %dma_start3A_87 : memref<1x2x26624xf32, #tpu.memory_space<vmem>> -> memref<2x26624xf32, #tpu.memory_space<vmem>>
    %dma_start3A_89 = arith.constant 0 : i32
    %dma_start3A_90 = tpu.memref_slice %arg2[%add3A_77, %dma_start3A_89] : memref<1024x26624xf32, #tpu.memory_space<hbm>> -> memref<2x26624xf32, #tpu.memory_space<hbm>>
    tpu.enqueue_dma source(%dma_start3A_90 : memref<2x26624xf32, #tpu.memory_space<hbm>>) target(%dma_start3A_88 : memref<2x26624xf32, #tpu.memory_space<vmem>>) target_semaphore(%arg8 : memref<!tpu.dma_semaphore, #tpu.memory_space<semaphore_mem>>)
    %dma_wait3A_91 = arith.constant 1 : i32
    %dma_wait3A_92 = arith.constant 0 : i32
    %dma_wait3A_93 = arith.constant 0 : i32
    %dma_wait3A_94 = tpu.memref_slice %arg6[%dma_wait3A_91, %dma_wait3A_92, %dma_wait3A_93] : memref<2x2x26624xf32, #tpu.memory_space<vmem>> -> memref<1x2x26624xf32, #tpu.memory_space<vmem>>
    %dma_wait3A_95 = tpu.memref_squeeze %dma_wait3A_94 : memref<1x2x26624xf32, #tpu.memory_space<vmem>> -> memref<2x26624xf32, #tpu.memory_space<vmem>>
    %dma_wait3A_96 = arith.constant 0 : i32
    %dma_wait3A_97 = tpu.memref_slice %arg2[%add3A_22, %dma_wait3A_96] : memref<1024x26624xf32, #tpu.memory_space<hbm>> -> memref<2x26624xf32, #tpu.memory_space<hbm>>
    %dma_wait3A_98 = arith.constant 0 : i32
    %dma_wait3A_99 = arith.constant 0 : i32
    %dma_wait3A_100 = tpu.memref_slice %arg6[%dma_wait3A_91, %dma_wait3A_98, %dma_wait3A_99] : memref<2x2x26624xf32, #tpu.memory_space<vmem>> -> memref<1x2x26624xf32, #tpu.memory_space<vmem>>
    %dma_wait3A_101 = tpu.memref_squeeze %dma_wait3A_100 : memref<1x2x26624xf32, #tpu.memory_space<vmem>> -> memref<2x26624xf32, #tpu.memory_space<vmem>>
    %dma_wait3A_102 = arith.constant 0 : i32
    %dma_wait3A_103 = tpu.memref_slice %arg2[%add3A_22, %dma_wait3A_102] : memref<1024x26624xf32, #tpu.memory_space<hbm>> -> memref<2x26624xf32, #tpu.memory_space<hbm>>
    tpu.wait_dma2 semaphore(%arg9 : memref<!tpu.dma_semaphore, #tpu.memory_space<semaphore_mem>>) src(%dma_wait3A_103 : memref<2x26624xf32, #tpu.memory_space<hbm>>) dst(%dma_wait3A_101 : memref<2x26624xf32, #tpu.memory_space<vmem>>)
    %add3A_104 = arith.constant 2 : i32
    %add3A_105 = arith.addi %mul3A_2, %add3A_104 : i32
    %dma_start3A_106 = arith.constant 1 : i32
    %dma_start3A_107 = arith.constant 0 : i32
    %dma_start3A_108 = arith.constant 0 : i32
    %dma_start3A_109 = tpu.memref_slice %arg6[%dma_start3A_106, %dma_start3A_107, %dma_start3A_108] : memref<2x2x26624xf32, #tpu.memory_space<vmem>> -> memref<1x2x26624xf32, #tpu.memory_space<vmem>>
    %dma_start3A_110 = tpu.memref_squeeze %dma_start3A_109 : memref<1x2x26624xf32, #tpu.memory_space<vmem>> -> memref<2x26624xf32, #tpu.memory_space<vmem>>
    %dma_start3A_111 = arith.constant 0 : i32
    %dma_start3A_112 = tpu.memref_slice %arg4[%add3A_105, %dma_start3A_111] : memref<1024x26624xf32, #tpu.memory_space<hbm>> -> memref<2x26624xf32, #tpu.memory_space<hbm>>
    %dma_start3A_113 = arith.constant 0 : i32
    %dma_start3A_114 = tpu.memref_slice %arg4[%add3A_105, %dma_start3A_113] : memref<1024x26624xf32, #tpu.memory_space<hbm>> -> memref<2x26624xf32, #tpu.memory_space<hbm>>
    %dma_start3A_115 = arith.constant 0 : i32
    %dma_start3A_116 = arith.constant 0 : i32
    %dma_start3A_117 = tpu.memref_slice %arg6[%dma_start3A_106, %dma_start3A_115, %dma_start3A_116] : memref<2x2x26624xf32, #tpu.memory_space<vmem>> -> memref<1x2x26624xf32, #tpu.memory_space<vmem>>
    %dma_start3A_118 = tpu.memref_squeeze %dma_start3A_117 : memref<1x2x26624xf32, #tpu.memory_space<vmem>> -> memref<2x26624xf32, #tpu.memory_space<vmem>>
    tpu.enqueue_dma source(%dma_start3A_118 : memref<2x26624xf32, #tpu.memory_space<vmem>>) target(%dma_start3A_114 : memref<2x26624xf32, #tpu.memory_space<hbm>>) target_semaphore(%arg11 : memref<!tpu.dma_semaphore, #tpu.memory_space<semaphore_mem>>)
    %dma_wait3A_119 = arith.constant 1 : i32
    %dma_wait3A_120 = arith.constant 0 : i32
    %dma_wait3A_121 = arith.constant 0 : i32
    %dma_wait3A_122 = tpu.memref_slice %arg6[%dma_wait3A_119, %dma_wait3A_120, %dma_wait3A_121] : memref<2x2x26624xf32, #tpu.memory_space<vmem>> -> memref<1x2x26624xf32, #tpu.memory_space<vmem>>
    %dma_wait3A_123 = tpu.memref_squeeze %dma_wait3A_122 : memref<1x2x26624xf32, #tpu.memory_space<vmem>> -> memref<2x26624xf32, #tpu.memory_space<vmem>>
    %dma_wait3A_124 = arith.constant 0 : i32
    %dma_wait3A_125 = tpu.memref_slice %arg4[%add3A_105, %dma_wait3A_124] : memref<1024x26624xf32, #tpu.memory_space<hbm>> -> memref<2x26624xf32, #tpu.memory_space<hbm>>
    %dma_wait3A_126 = arith.constant 0 : i32
    %dma_wait3A_127 = tpu.memref_slice %arg4[%add3A_105, %dma_wait3A_126] : memref<1024x26624xf32, #tpu.memory_space<hbm>> -> memref<2x26624xf32, #tpu.memory_space<hbm>>
    %dma_wait3A_128 = arith.constant 0 : i32
    %dma_wait3A_129 = arith.constant 0 : i32
    %dma_wait3A_130 = tpu.memref_slice %arg6[%dma_wait3A_119, %dma_wait3A_128, %dma_wait3A_129] : memref<2x2x26624xf32, #tpu.memory_space<vmem>> -> memref<1x2x26624xf32, #tpu.memory_space<vmem>>
    %dma_wait3A_131 = tpu.memref_squeeze %dma_wait3A_130 : memref<1x2x26624xf32, #tpu.memory_space<vmem>> -> memref<2x26624xf32, #tpu.memory_space<vmem>>
    tpu.wait_dma2 semaphore(%arg11 : memref<!tpu.dma_semaphore, #tpu.memory_space<semaphore_mem>>) src(%dma_wait3A_131 : memref<2x26624xf32, #tpu.memory_space<vmem>>) dst(%dma_wait3A_127 : memref<2x26624xf32, #tpu.memory_space<hbm>>)
    %add3A_132 = arith.constant 6 : i32
    %add3A_133 = arith.addi %mul3A_2, %add3A_132 : i32
    %dma_start3A_134 = arith.constant 1 : i32
    %dma_start3A_135 = arith.constant 0 : i32
    %dma_start3A_136 = arith.constant 0 : i32
    %dma_start3A_137 = tpu.memref_slice %arg6[%dma_start3A_134, %dma_start3A_135, %dma_start3A_136] : memref<2x2x26624xf32, #tpu.memory_space<vmem>> -> memref<1x2x26624xf32, #tpu.memory_space<vmem>>
    %dma_start3A_138 = tpu.memref_squeeze %dma_start3A_137 : memref<1x2x26624xf32, #tpu.memory_space<vmem>> -> memref<2x26624xf32, #tpu.memory_space<vmem>>
    %dma_start3A_139 = arith.constant 0 : i32
    %dma_start3A_140 = tpu.memref_slice %arg2[%add3A_133, %dma_start3A_139] : memref<1024x26624xf32, #tpu.memory_space<hbm>> -> memref<2x26624xf32, #tpu.memory_space<hbm>>
    %dma_start3A_141 = arith.constant 0 : i32
    %dma_start3A_142 = arith.constant 0 : i32
    %dma_start3A_143 = tpu.memref_slice %arg6[%dma_start3A_134, %dma_start3A_141, %dma_start3A_142] : memref<2x2x26624xf32, #tpu.memory_space<vmem>> -> memref<1x2x26624xf32, #tpu.memory_space<vmem>>
    %dma_start3A_144 = tpu.memref_squeeze %dma_start3A_143 : memref<1x2x26624xf32, #tpu.memory_space<vmem>> -> memref<2x26624xf32, #tpu.memory_space<vmem>>
    %dma_start3A_145 = arith.constant 0 : i32
    %dma_start3A_146 = tpu.memref_slice %arg2[%add3A_133, %dma_start3A_145] : memref<1024x26624xf32, #tpu.memory_space<hbm>> -> memref<2x26624xf32, #tpu.memory_space<hbm>>
    tpu.enqueue_dma source(%dma_start3A_146 : memref<2x26624xf32, #tpu.memory_space<hbm>>) target(%dma_start3A_144 : memref<2x26624xf32, #tpu.memory_space<vmem>>) target_semaphore(%arg9 : memref<!tpu.dma_semaphore, #tpu.memory_space<semaphore_mem>>)
    %dma_wait3A_147 = arith.constant 0 : i32
    %dma_wait3A_148 = arith.constant 0 : i32
    %dma_wait3A_149 = arith.constant 0 : i32
    %dma_wait3A_150 = tpu.memref_slice %arg6[%dma_wait3A_147, %dma_wait3A_148, %dma_wait3A_149] : memref<2x2x26624xf32, #tpu.memory_space<vmem>> -> memref<1x2x26624xf32, #tpu.memory_space<vmem>>
    %dma_wait3A_151 = tpu.memref_squeeze %dma_wait3A_150 : memref<1x2x26624xf32, #tpu.memory_space<vmem>> -> memref<2x26624xf32, #tpu.memory_space<vmem>>
    %dma_wait3A_152 = arith.constant 0 : i32
    %dma_wait3A_153 = tpu.memref_slice %arg2[%add3A_77, %dma_wait3A_152] : memref<1024x26624xf32, #tpu.memory_space<hbm>> -> memref<2x26624xf32, #tpu.memory_space<hbm>>
    %dma_wait3A_154 = arith.constant 0 : i32
    %dma_wait3A_155 = arith.constant 0 : i32
    %dma_wait3A_156 = tpu.memref_slice %arg6[%dma_wait3A_147, %dma_wait3A_154, %dma_wait3A_155] : memref<2x2x26624xf32, #tpu.memory_space<vmem>> -> memref<1x2x26624xf32, #tpu.memory_space<vmem>>
    %dma_wait3A_157 = tpu.memref_squeeze %dma_wait3A_156 : memref<1x2x26624xf32, #tpu.memory_space<vmem>> -> memref<2x26624xf32, #tpu.memory_space<vmem>>
    %dma_wait3A_158 = arith.constant 0 : i32
    %dma_wait3A_159 = tpu.memref_slice %arg2[%add3A_77, %dma_wait3A_158] : memref<1024x26624xf32, #tpu.memory_space<hbm>> -> memref<2x26624xf32, #tpu.memory_space<hbm>>
    tpu.wait_dma2 semaphore(%arg8 : memref<!tpu.dma_semaphore, #tpu.memory_space<semaphore_mem>>) src(%dma_wait3A_159 : memref<2x26624xf32, #tpu.memory_space<hbm>>) dst(%dma_wait3A_157 : memref<2x26624xf32, #tpu.memory_space<vmem>>)
    %add3A_160 = arith.constant 4 : i32
    %add3A_161 = arith.addi %mul3A_2, %add3A_160 : i32
    %dma_start3A_162 = arith.constant 0 : i32
    %dma_start3A_163 = arith.constant 0 : i32
    %dma_start3A_164 = arith.constant 0 : i32
    %dma_start3A_165 = tpu.memref_slice %arg6[%dma_start3A_162, %dma_start3A_163, %dma_start3A_164] : memref<2x2x26624xf32, #tpu.memory_space<vmem>> -> memref<1x2x26624xf32, #tpu.memory_space<vmem>>
    %dma_start3A_166 = tpu.memref_squeeze %dma_start3A_165 : memref<1x2x26624xf32, #tpu.memory_space<vmem>> -> memref<2x26624xf32, #tpu.memory_space<vmem>>
    %dma_start3A_167 = arith.constant 0 : i32
    %dma_start3A_168 = tpu.memref_slice %arg4[%add3A_161, %dma_start3A_167] : memref<1024x26624xf32, #tpu.memory_space<hbm>> -> memref<2x26624xf32, #tpu.memory_space<hbm>>
    %dma_start3A_169 = arith.constant 0 : i32
    %dma_start3A_170 = tpu.memref_slice %arg4[%add3A_161, %dma_start3A_169] : memref<1024x26624xf32, #tpu.memory_space<hbm>> -> memref<2x26624xf32, #tpu.memory_space<hbm>>
    %dma_start3A_171 = arith.constant 0 : i32
    %dma_start3A_172 = arith.constant 0 : i32
    %dma_start3A_173 = tpu.memref_slice %arg6[%dma_start3A_162, %dma_start3A_171, %dma_start3A_172] : memref<2x2x26624xf32, #tpu.memory_space<vmem>> -> memref<1x2x26624xf32, #tpu.memory_space<vmem>>
    %dma_start3A_174 = tpu.memref_squeeze %dma_start3A_173 : memref<1x2x26624xf32, #tpu.memory_space<vmem>> -> memref<2x26624xf32, #tpu.memory_space<vmem>>
    tpu.enqueue_dma source(%dma_start3A_174 : memref<2x26624xf32, #tpu.memory_space<vmem>>) target(%dma_start3A_170 : memref<2x26624xf32, #tpu.memory_space<hbm>>) target_semaphore(%arg10 : memref<!tpu.dma_semaphore, #tpu.memory_space<semaphore_mem>>)
    %dma_wait3A_175 = arith.constant 0 : i32
    %dma_wait3A_176 = arith.constant 0 : i32
    %dma_wait3A_177 = arith.constant 0 : i32
    %dma_wait3A_178 = tpu.memref_slice %arg6[%dma_wait3A_175, %dma_wait3A_176, %dma_wait3A_177] : memref<2x2x26624xf32, #tpu.memory_space<vmem>> -> memref<1x2x26624xf32, #tpu.memory_space<vmem>>
    %dma_wait3A_179 = tpu.memref_squeeze %dma_wait3A_178 : memref<1x2x26624xf32, #tpu.memory_space<vmem>> -> memref<2x26624xf32, #tpu.memory_space<vmem>>
    %dma_wait3A_180 = arith.constant 0 : i32
    %dma_wait3A_181 = tpu.memref_slice %arg4[%add3A_161, %dma_wait3A_180] : memref<1024x26624xf32, #tpu.memory_space<hbm>> -> memref<2x26624xf32, #tpu.memory_space<hbm>>
    %dma_wait3A_182 = arith.constant 0 : i32
    %dma_wait3A_183 = tpu.memref_slice %arg4[%add3A_161, %dma_wait3A_182] : memref<1024x26624xf32, #tpu.memory_space<hbm>> -> memref<2x26624xf32, #tpu.memory_space<hbm>>
    %dma_wait3A_184 = arith.constant 0 : i32
    %dma_wait3A_185 = arith.constant 0 : i32
    %dma_wait3A_186 = tpu.memref_slice %arg6[%dma_wait3A_175, %dma_wait3A_184, %dma_wait3A_185] : memref<2x2x26624xf32, #tpu.memory_space<vmem>> -> memref<1x2x26624xf32, #tpu.memory_space<vmem>>
    %dma_wait3A_187 = tpu.memref_squeeze %dma_wait3A_186 : memref<1x2x26624xf32, #tpu.memory_space<vmem>> -> memref<2x26624xf32, #tpu.memory_space<vmem>>
    tpu.wait_dma2 semaphore(%arg10 : memref<!tpu.dma_semaphore, #tpu.memory_space<semaphore_mem>>) src(%dma_wait3A_187 : memref<2x26624xf32, #tpu.memory_space<vmem>>) dst(%dma_wait3A_183 : memref<2x26624xf32, #tpu.memory_space<hbm>>)
    %add3A_188 = arith.constant 8 : i32
    %add3A_189 = arith.addi %mul3A_2, %add3A_188 : i32
    %dma_start3A_190 = arith.constant 0 : i32
    %dma_start3A_191 = arith.constant 0 : i32
    %dma_start3A_192 = arith.constant 0 : i32
    %dma_start3A_193 = tpu.memref_slice %arg6[%dma_start3A_190, %dma_start3A_191, %dma_start3A_192] : memref<2x2x26624xf32, #tpu.memory_space<vmem>> -> memref<1x2x26624xf32, #tpu.memory_space<vmem>>
    %dma_start3A_194 = tpu.memref_squeeze %dma_start3A_193 : memref<1x2x26624xf32, #tpu.memory_space<vmem>> -> memref<2x26624xf32, #tpu.memory_space<vmem>>
    %dma_start3A_195 = arith.constant 0 : i32
    %dma_start3A_196 = tpu.memref_slice %arg2[%add3A_189, %dma_start3A_195] : memref<1024x26624xf32, #tpu.memory_space<hbm>> -> memref<2x26624xf32, #tpu.memory_space<hbm>>
    %dma_start3A_197 = arith.constant 0 : i32
    %dma_start3A_198 = arith.constant 0 : i32
    %dma_start3A_199 = tpu.memref_slice %arg6[%dma_start3A_190, %dma_start3A_197, %dma_start3A_198] : memref<2x2x26624xf32, #tpu.memory_space<vmem>> -> memref<1x2x26624xf32, #tpu.memory_space<vmem>>
    %dma_start3A_200 = tpu.memref_squeeze %dma_start3A_199 : memref<1x2x26624xf32, #tpu.memory_space<vmem>> -> memref<2x26624xf32, #tpu.memory_space<vmem>>
    %dma_start3A_201 = arith.constant 0 : i32
    %dma_start3A_202 = tpu.memref_slice %arg2[%add3A_189, %dma_start3A_201] : memref<1024x26624xf32, #tpu.memory_space<hbm>> -> memref<2x26624xf32, #tpu.memory_space<hbm>>
    tpu.enqueue_dma source(%dma_start3A_202 : memref<2x26624xf32, #tpu.memory_space<hbm>>) target(%dma_start3A_200 : memref<2x26624xf32, #tpu.memory_space<vmem>>) target_semaphore(%arg8 : memref<!tpu.dma_semaphore, #tpu.memory_space<semaphore_mem>>)
    %dma_wait3A_203 = arith.constant 1 : i32
    %dma_wait3A_204 = arith.constant 0 : i32
    %dma_wait3A_205 = arith.constant 0 : i32
    %dma_wait3A_206 = tpu.memref_slice %arg6[%dma_wait3A_203, %dma_wait3A_204, %dma_wait3A_205] : memref<2x2x26624xf32, #tpu.memory_space<vmem>> -> memref<1x2x26624xf32, #tpu.memory_space<vmem>>
    %dma_wait3A_207 = tpu.memref_squeeze %dma_wait3A_206 : memref<1x2x26624xf32, #tpu.memory_space<vmem>> -> memref<2x26624xf32, #tpu.memory_space<vmem>>
    %dma_wait3A_208 = arith.constant 0 : i32
    %dma_wait3A_209 = tpu.memref_slice %arg2[%add3A_133, %dma_wait3A_208] : memref<1024x26624xf32, #tpu.memory_space<hbm>> -> memref<2x26624xf32, #tpu.memory_space<hbm>>
    %dma_wait3A_210 = arith.constant 0 : i32
    %dma_wait3A_211 = arith.constant 0 : i32
    %dma_wait3A_212 = tpu.memref_slice %arg6[%dma_wait3A_203, %dma_wait3A_210, %dma_wait3A_211] : memref<2x2x26624xf32, #tpu.memory_space<vmem>> -> memref<1x2x26624xf32, #tpu.memory_space<vmem>>
    %dma_wait3A_213 = tpu.memref_squeeze %dma_wait3A_212 : memref<1x2x26624xf32, #tpu.memory_space<vmem>> -> memref<2x26624xf32, #tpu.memory_space<vmem>>
    %dma_wait3A_214 = arith.constant 0 : i32
    %dma_wait3A_215 = tpu.memref_slice %arg2[%add3A_133, %dma_wait3A_214] : memref<1024x26624xf32, #tpu.memory_space<hbm>> -> memref<2x26624xf32, #tpu.memory_space<hbm>>
    tpu.wait_dma2 semaphore(%arg9 : memref<!tpu.dma_semaphore, #tpu.memory_space<semaphore_mem>>) src(%dma_wait3A_215 : memref<2x26624xf32, #tpu.memory_space<hbm>>) dst(%dma_wait3A_213 : memref<2x26624xf32, #tpu.memory_space<vmem>>)
    %add3A_216 = arith.constant 6 : i32
    %add3A_217 = arith.addi %mul3A_2, %add3A_216 : i32
    %dma_start3A_218 = arith.constant 1 : i32
    %dma_start3A_219 = arith.constant 0 : i32
    %dma_start3A_220 = arith.constant 0 : i32
    %dma_start3A_221 = tpu.memref_slice %arg6[%dma_start3A_218, %dma_start3A_219, %dma_start3A_220] : memref<2x2x26624xf32, #tpu.memory_space<vmem>> -> memref<1x2x26624xf32, #tpu.memory_space<vmem>>
    %dma_start3A_222 = tpu.memref_squeeze %dma_start3A_221 : memref<1x2x26624xf32, #tpu.memory_space<vmem>> -> memref<2x26624xf32, #tpu.memory_space<vmem>>
    %dma_start3A_223 = arith.constant 0 : i32
    %dma_start3A_224 = tpu.memref_slice %arg4[%add3A_217, %dma_start3A_223] : memref<1024x26624xf32, #tpu.memory_space<hbm>> -> memref<2x26624xf32, #tpu.memory_space<hbm>>
    %dma_start3A_225 = arith.constant 0 : i32
    %dma_start3A_226 = tpu.memref_slice %arg4[%add3A_217, %dma_start3A_225] : memref<1024x26624xf32, #tpu.memory_space<hbm>> -> memref<2x26624xf32, #tpu.memory_space<hbm>>
    %dma_start3A_227 = arith.constant 0 : i32
    %dma_start3A_228 = arith.constant 0 : i32
    %dma_start3A_229 = tpu.memref_slice %arg6[%dma_start3A_218, %dma_start3A_227, %dma_start3A_228] : memref<2x2x26624xf32, #tpu.memory_space<vmem>> -> memref<1x2x26624xf32, #tpu.memory_space<vmem>>
    %dma_start3A_230 = tpu.memref_squeeze %dma_start3A_229 : memref<1x2x26624xf32, #tpu.memory_space<vmem>> -> memref<2x26624xf32, #tpu.memory_space<vmem>>
    tpu.enqueue_dma source(%dma_start3A_230 : memref<2x26624xf32, #tpu.memory_space<vmem>>) target(%dma_start3A_226 : memref<2x26624xf32, #tpu.memory_space<hbm>>) target_semaphore(%arg11 : memref<!tpu.dma_semaphore, #tpu.memory_space<semaphore_mem>>)
    %dma_wait3A_231 = arith.constant 1 : i32
    %dma_wait3A_232 = arith.constant 0 : i32
    %dma_wait3A_233 = arith.constant 0 : i32
    %dma_wait3A_234 = tpu.memref_slice %arg6[%dma_wait3A_231, %dma_wait3A_232, %dma_wait3A_233] : memref<2x2x26624xf32, #tpu.memory_space<vmem>> -> memref<1x2x26624xf32, #tpu.memory_space<vmem>>
    %dma_wait3A_235 = tpu.memref_squeeze %dma_wait3A_234 : memref<1x2x26624xf32, #tpu.memory_space<vmem>> -> memref<2x26624xf32, #tpu.memory_space<vmem>>
    %dma_wait3A_236 = arith.constant 0 : i32
    %dma_wait3A_237 = tpu.memref_slice %arg4[%add3A_217, %dma_wait3A_236] : memref<1024x26624xf32, #tpu.memory_space<hbm>> -> memref<2x26624xf32, #tpu.memory_space<hbm>>
    %dma_wait3A_238 = arith.constant 0 : i32
    %dma_wait3A_239 = tpu.memref_slice %arg4[%add3A_217, %dma_wait3A_238] : memref<1024x26624xf32, #tpu.memory_space<hbm>> -> memref<2x26624xf32, #tpu.memory_space<hbm>>
    %dma_wait3A_240 = arith.constant 0 : i32
    %dma_wait3A_241 = arith.constant 0 : i32
    %dma_wait3A_242 = tpu.memref_slice %arg6[%dma_wait3A_231, %dma_wait3A_240, %dma_wait3A_241] : memref<2x2x26624xf32, #tpu.memory_space<vmem>> -> memref<1x2x26624xf32, #tpu.memory_space<vmem>>
    %dma_wait3A_243 = tpu.memref_squeeze %dma_wait3A_242 : memref<1x2x26624xf32, #tpu.memory_space<vmem>> -> memref<2x26624xf32, #tpu.memory_space<vmem>>
    tpu.wait_dma2 semaphore(%arg11 : memref<!tpu.dma_semaphore, #tpu.memory_space<semaphore_mem>>) src(%dma_wait3A_243 : memref<2x26624xf32, #tpu.memory_space<vmem>>) dst(%dma_wait3A_239 : memref<2x26624xf32, #tpu.memory_space<hbm>>)
    %add3A_244 = arith.constant 10 : i32
    %add3A_245 = arith.addi %mul3A_2, %add3A_244 : i32
    %dma_start3A_246 = arith.constant 1 : i32
    %dma_start3A_247 = arith.constant 0 : i32
    %dma_start3A_248 = arith.constant 0 : i32
    %dma_start3A_249 = tpu.memref_slice %arg6[%dma_start3A_246, %dma_start3A_247, %dma_start3A_248] : memref<2x2x26624xf32, #tpu.memory_space<vmem>> -> memref<1x2x26624xf32, #tpu.memory_space<vmem>>
    %dma_start3A_250 = tpu.memref_squeeze %dma_start3A_249 : memref<1x2x26624xf32, #tpu.memory_space<vmem>> -> memref<2x26624xf32, #tpu.memory_space<vmem>>
    %dma_start3A_251 = arith.constant 0 : i32
    %dma_start3A_252 = tpu.memref_slice %arg2[%add3A_245, %dma_start3A_251] : memref<1024x26624xf32, #tpu.memory_space<hbm>> -> memref<2x26624xf32, #tpu.memory_space<hbm>>
    %dma_start3A_253 = arith.constant 0 : i32
    %dma_start3A_254 = arith.constant 0 : i32
    %dma_start3A_255 = tpu.memref_slice %arg6[%dma_start3A_246, %dma_start3A_253, %dma_start3A_254] : memref<2x2x26624xf32, #tpu.memory_space<vmem>> -> memref<1x2x26624xf32, #tpu.memory_space<vmem>>
    %dma_start3A_256 = tpu.memref_squeeze %dma_start3A_255 : memref<1x2x26624xf32, #tpu.memory_space<vmem>> -> memref<2x26624xf32, #tpu.memory_space<vmem>>
    %dma_start3A_257 = arith.constant 0 : i32
    %dma_start3A_258 = tpu.memref_slice %arg2[%add3A_245, %dma_start3A_257] : memref<1024x26624xf32, #tpu.memory_space<hbm>> -> memref<2x26624xf32, #tpu.memory_space<hbm>>
    tpu.enqueue_dma source(%dma_start3A_258 : memref<2x26624xf32, #tpu.memory_space<hbm>>) target(%dma_start3A_256 : memref<2x26624xf32, #tpu.memory_space<vmem>>) target_semaphore(%arg9 : memref<!tpu.dma_semaphore, #tpu.memory_space<semaphore_mem>>)
    %dma_wait3A_259 = arith.constant 0 : i32
    %dma_wait3A_260 = arith.constant 0 : i32
    %dma_wait3A_261 = arith.constant 0 : i32
    %dma_wait3A_262 = tpu.memref_slice %arg6[%dma_wait3A_259, %dma_wait3A_260, %dma_wait3A_261] : memref<2x2x26624xf32, #tpu.memory_space<vmem>> -> memref<1x2x26624xf32, #tpu.memory_space<vmem>>
    %dma_wait3A_263 = tpu.memref_squeeze %dma_wait3A_262 : memref<1x2x26624xf32, #tpu.memory_space<vmem>> -> memref<2x26624xf32, #tpu.memory_space<vmem>>
    %dma_wait3A_264 = arith.constant 0 : i32
    %dma_wait3A_265 = tpu.memref_slice %arg2[%add3A_189, %dma_wait3A_264] : memref<1024x26624xf32, #tpu.memory_space<hbm>> -> memref<2x26624xf32, #tpu.memory_space<hbm>>
    %dma_wait3A_266 = arith.constant 0 : i32
    %dma_wait3A_267 = arith.constant 0 : i32
    %dma_wait3A_268 = tpu.memref_slice %arg6[%dma_wait3A_259, %dma_wait3A_266, %dma_wait3A_267] : memref<2x2x26624xf32, #tpu.memory_space<vmem>> -> memref<1x2x26624xf32, #tpu.memory_space<vmem>>
    %dma_wait3A_269 = tpu.memref_squeeze %dma_wait3A_268 : memref<1x2x26624xf32, #tpu.memory_space<vmem>> -> memref<2x26624xf32, #tpu.memory_space<vmem>>
    %dma_wait3A_270 = arith.constant 0 : i32
    %dma_wait3A_271 = tpu.memref_slice %arg2[%add3A_189, %dma_wait3A_270] : memref<1024x26624xf32, #tpu.memory_space<hbm>> -> memref<2x26624xf32, #tpu.memory_space<hbm>>
    tpu.wait_dma2 semaphore(%arg8 : memref<!tpu.dma_semaphore, #tpu.memory_space<semaphore_mem>>) src(%dma_wait3A_271 : memref<2x26624xf32, #tpu.memory_space<hbm>>) dst(%dma_wait3A_269 : memref<2x26624xf32, #tpu.memory_space<vmem>>)
    %add3A_272 = arith.constant 8 : i32
    %add3A_273 = arith.addi %mul3A_2, %add3A_272 : i32
    %dma_start3A_274 = arith.constant 0 : i32
    %dma_start3A_275 = arith.constant 0 : i32
    %dma_start3A_276 = arith.constant 0 : i32
    %dma_start3A_277 = tpu.memref_slice %arg6[%dma_start3A_274, %dma_start3A_275, %dma_start3A_276] : memref<2x2x26624xf32, #tpu.memory_space<vmem>> -> memref<1x2x26624xf32, #tpu.memory_space<vmem>>
    %dma_start3A_278 = tpu.memref_squeeze %dma_start3A_277 : memref<1x2x26624xf32, #tpu.memory_space<vmem>> -> memref<2x26624xf32, #tpu.memory_space<vmem>>
    %dma_start3A_279 = arith.constant 0 : i32
    %dma_start3A_280 = tpu.memref_slice %arg4[%add3A_273, %dma_start3A_279] : memref<1024x26624xf32, #tpu.memory_space<hbm>> -> memref<2x26624xf32, #tpu.memory_space<hbm>>
    %dma_start3A_281 = arith.constant 0 : i32
    %dma_start3A_282 = tpu.memref_slice %arg4[%add3A_273, %dma_start3A_281] : memref<1024x26624xf32, #tpu.memory_space<hbm>> -> memref<2x26624xf32, #tpu.memory_space<hbm>>
    %dma_start3A_283 = arith.constant 0 : i32
    %dma_start3A_284 = arith.constant 0 : i32
    %dma_start3A_285 = tpu.memref_slice %arg6[%dma_start3A_274, %dma_start3A_283, %dma_start3A_284] : memref<2x2x26624xf32, #tpu.memory_space<vmem>> -> memref<1x2x26624xf32, #tpu.memory_space<vmem>>
    %dma_start3A_286 = tpu.memref_squeeze %dma_start3A_285 : memref<1x2x26624xf32, #tpu.memory_space<vmem>> -> memref<2x26624xf32, #tpu.memory_space<vmem>>
    tpu.enqueue_dma source(%dma_start3A_286 : memref<2x26624xf32, #tpu.memory_space<vmem>>) target(%dma_start3A_282 : memref<2x26624xf32, #tpu.memory_space<hbm>>) target_semaphore(%arg10 : memref<!tpu.dma_semaphore, #tpu.memory_space<semaphore_mem>>)
    %dma_wait3A_287 = arith.constant 0 : i32
    %dma_wait3A_288 = arith.constant 0 : i32
    %dma_wait3A_289 = arith.constant 0 : i32
    %dma_wait3A_290 = tpu.memref_slice %arg6[%dma_wait3A_287, %dma_wait3A_288, %dma_wait3A_289] : memref<2x2x26624xf32, #tpu.memory_space<vmem>> -> memref<1x2x26624xf32, #tpu.memory_space<vmem>>
    %dma_wait3A_291 = tpu.memref_squeeze %dma_wait3A_290 : memref<1x2x26624xf32, #tpu.memory_space<vmem>> -> memref<2x26624xf32, #tpu.memory_space<vmem>>
    %dma_wait3A_292 = arith.constant 0 : i32
    %dma_wait3A_293 = tpu.memref_slice %arg4[%add3A_273, %dma_wait3A_292] : memref<1024x26624xf32, #tpu.memory_space<hbm>> -> memref<2x26624xf32, #tpu.memory_space<hbm>>
    %dma_wait3A_294 = arith.constant 0 : i32
    %dma_wait3A_295 = tpu.memref_slice %arg4[%add3A_273, %dma_wait3A_294] : memref<1024x26624xf32, #tpu.memory_space<hbm>> -> memref<2x26624xf32, #tpu.memory_space<hbm>>
    %dma_wait3A_296 = arith.constant 0 : i32
    %dma_wait3A_297 = arith.constant 0 : i32
    %dma_wait3A_298 = tpu.memref_slice %arg6[%dma_wait3A_287, %dma_wait3A_296, %dma_wait3A_297] : memref<2x2x26624xf32, #tpu.memory_space<vmem>> -> memref<1x2x26624xf32, #tpu.memory_space<vmem>>
    %dma_wait3A_299 = tpu.memref_squeeze %dma_wait3A_298 : memref<1x2x26624xf32, #tpu.memory_space<vmem>> -> memref<2x26624xf32, #tpu.memory_space<vmem>>
    tpu.wait_dma2 semaphore(%arg10 : memref<!tpu.dma_semaphore, #tpu.memory_space<semaphore_mem>>) src(%dma_wait3A_299 : memref<2x26624xf32, #tpu.memory_space<vmem>>) dst(%dma_wait3A_295 : memref<2x26624xf32, #tpu.memory_space<hbm>>)
    %add3A_300 = arith.constant 12 : i32
    %add3A_301 = arith.addi %mul3A_2, %add3A_300 : i32
    %dma_start3A_302 = arith.constant 0 : i32
    %dma_start3A_303 = arith.constant 0 : i32
    %dma_start3A_304 = arith.constant 0 : i32
    %dma_start3A_305 = tpu.memref_slice %arg6[%dma_start3A_302, %dma_start3A_303, %dma_start3A_304] : memref<2x2x26624xf32, #tpu.memory_space<vmem>> -> memref<1x2x26624xf32, #tpu.memory_space<vmem>>
    %dma_start3A_306 = tpu.memref_squeeze %dma_start3A_305 : memref<1x2x26624xf32, #tpu.memory_space<vmem>> -> memref<2x26624xf32, #tpu.memory_space<vmem>>
    %dma_start3A_307 = arith.constant 0 : i32
    %dma_start3A_308 = tpu.memref_slice %arg2[%add3A_301, %dma_start3A_307] : memref<1024x26624xf32, #tpu.memory_space<hbm>> -> memref<2x26624xf32, #tpu.memory_space<hbm>>
    %dma_start3A_309 = arith.constant 0 : i32
    %dma_start3A_310 = arith.constant 0 : i32
    %dma_start3A_311 = tpu.memref_slice %arg6[%dma_start3A_302, %dma_start3A_309, %dma_start3A_310] : memref<2x2x26624xf32, #tpu.memory_space<vmem>> -> memref<1x2x26624xf32, #tpu.memory_space<vmem>>
    %dma_start3A_312 = tpu.memref_squeeze %dma_start3A_311 : memref<1x2x26624xf32, #tpu.memory_space<vmem>> -> memref<2x26624xf32, #tpu.memory_space<vmem>>
    %dma_start3A_313 = arith.constant 0 : i32
    %dma_start3A_314 = tpu.memref_slice %arg2[%add3A_301, %dma_start3A_313] : memref<1024x26624xf32, #tpu.memory_space<hbm>> -> memref<2x26624xf32, #tpu.memory_space<hbm>>
    tpu.enqueue_dma source(%dma_start3A_314 : memref<2x26624xf32, #tpu.memory_space<hbm>>) target(%dma_start3A_312 : memref<2x26624xf32, #tpu.memory_space<vmem>>) target_semaphore(%arg8 : memref<!tpu.dma_semaphore, #tpu.memory_space<semaphore_mem>>)
    %dma_wait3A_315 = arith.constant 1 : i32
    %dma_wait3A_316 = arith.constant 0 : i32
    %dma_wait3A_317 = arith.constant 0 : i32
    %dma_wait3A_318 = tpu.memref_slice %arg6[%dma_wait3A_315, %dma_wait3A_316, %dma_wait3A_317] : memref<2x2x26624xf32, #tpu.memory_space<vmem>> -> memref<1x2x26624xf32, #tpu.memory_space<vmem>>
    %dma_wait3A_319 = tpu.memref_squeeze %dma_wait3A_318 : memref<1x2x26624xf32, #tpu.memory_space<vmem>> -> memref<2x26624xf32, #tpu.memory_space<vmem>>
    %dma_wait3A_320 = arith.constant 0 : i32
    %dma_wait3A_321 = tpu.memref_slice %arg2[%add3A_245, %dma_wait3A_320] : memref<1024x26624xf32, #tpu.memory_space<hbm>> -> memref<2x26624xf32, #tpu.memory_space<hbm>>
    %dma_wait3A_322 = arith.constant 0 : i32
    %dma_wait3A_323 = arith.constant 0 : i32
    %dma_wait3A_324 = tpu.memref_slice %arg6[%dma_wait3A_315, %dma_wait3A_322, %dma_wait3A_323] : memref<2x2x26624xf32, #tpu.memory_space<vmem>> -> memref<1x2x26624xf32, #tpu.memory_space<vmem>>
    %dma_wait3A_325 = tpu.memref_squeeze %dma_wait3A_324 : memref<1x2x26624xf32, #tpu.memory_space<vmem>> -> memref<2x26624xf32, #tpu.memory_space<vmem>>
    %dma_wait3A_326 = arith.constant 0 : i32
    %dma_wait3A_327 = tpu.memref_slice %arg2[%add3A_245, %dma_wait3A_326] : memref<1024x26624xf32, #tpu.memory_space<hbm>> -> memref<2x26624xf32, #tpu.memory_space<hbm>>
    tpu.wait_dma2 semaphore(%arg9 : memref<!tpu.dma_semaphore, #tpu.memory_space<semaphore_mem>>) src(%dma_wait3A_327 : memref<2x26624xf32, #tpu.memory_space<hbm>>) dst(%dma_wait3A_325 : memref<2x26624xf32, #tpu.memory_space<vmem>>)
    %add3A_328 = arith.constant 10 : i32
    %add3A_329 = arith.addi %mul3A_2, %add3A_328 : i32
    %dma_start3A_330 = arith.constant 1 : i32
    %dma_start3A_331 = arith.constant 0 : i32
    %dma_start3A_332 = arith.constant 0 : i32
    %dma_start3A_333 = tpu.memref_slice %arg6[%dma_start3A_330, %dma_start3A_331, %dma_start3A_332] : memref<2x2x26624xf32, #tpu.memory_space<vmem>> -> memref<1x2x26624xf32, #tpu.memory_space<vmem>>
    %dma_start3A_334 = tpu.memref_squeeze %dma_start3A_333 : memref<1x2x26624xf32, #tpu.memory_space<vmem>> -> memref<2x26624xf32, #tpu.memory_space<vmem>>
    %dma_start3A_335 = arith.constant 0 : i32
    %dma_start3A_336 = tpu.memref_slice %arg4[%add3A_329, %dma_start3A_335] : memref<1024x26624xf32, #tpu.memory_space<hbm>> -> memref<2x26624xf32, #tpu.memory_space<hbm>>
    %dma_start3A_337 = arith.constant 0 : i32
    %dma_start3A_338 = tpu.memref_slice %arg4[%add3A_329, %dma_start3A_337] : memref<1024x26624xf32, #tpu.memory_space<hbm>> -> memref<2x26624xf32, #tpu.memory_space<hbm>>
    %dma_start3A_339 = arith.constant 0 : i32
    %dma_start3A_340 = arith.constant 0 : i32
    %dma_start3A_341 = tpu.memref_slice %arg6[%dma_start3A_330, %dma_start3A_339, %dma_start3A_340] : memref<2x2x26624xf32, #tpu.memory_space<vmem>> -> memref<1x2x26624xf32, #tpu.memory_space<vmem>>
    %dma_start3A_342 = tpu.memref_squeeze %dma_start3A_341 : memref<1x2x26624xf32, #tpu.memory_space<vmem>> -> memref<2x26624xf32, #tpu.memory_space<vmem>>
    tpu.enqueue_dma source(%dma_start3A_342 : memref<2x26624xf32, #tpu.memory_space<vmem>>) target(%dma_start3A_338 : memref<2x26624xf32, #tpu.memory_space<hbm>>) target_semaphore(%arg11 : memref<!tpu.dma_semaphore, #tpu.memory_space<semaphore_mem>>)
    %dma_wait3A_343 = arith.constant 1 : i32
    %dma_wait3A_344 = arith.constant 0 : i32
    %dma_wait3A_345 = arith.constant 0 : i32
    %dma_wait3A_346 = tpu.memref_slice %arg6[%dma_wait3A_343, %dma_wait3A_344, %dma_wait3A_345] : memref<2x2x26624xf32, #tpu.memory_space<vmem>> -> memref<1x2x26624xf32, #tpu.memory_space<vmem>>
    %dma_wait3A_347 = tpu.memref_squeeze %dma_wait3A_346 : memref<1x2x26624xf32, #tpu.memory_space<vmem>> -> memref<2x26624xf32, #tpu.memory_space<vmem>>
    %dma_wait3A_348 = arith.constant 0 : i32
    %dma_wait3A_349 = tpu.memref_slice %arg4[%add3A_329, %dma_wait3A_348] : memref<1024x26624xf32, #tpu.memory_space<hbm>> -> memref<2x26624xf32, #tpu.memory_space<hbm>>
    %dma_wait3A_350 = arith.constant 0 : i32
    %dma_wait3A_351 = tpu.memref_slice %arg4[%add3A_329, %dma_wait3A_350] : memref<1024x26624xf32, #tpu.memory_space<hbm>> -> memref<2x26624xf32, #tpu.memory_space<hbm>>
    %dma_wait3A_352 = arith.constant 0 : i32
    %dma_wait3A_353 = arith.constant 0 : i32
    %dma_wait3A_354 = tpu.memref_slice %arg6[%dma_wait3A_343, %dma_wait3A_352, %dma_wait3A_353] : memref<2x2x26624xf32, #tpu.memory_space<vmem>> -> memref<1x2x26624xf32, #tpu.memory_space<vmem>>
    %dma_wait3A_355 = tpu.memref_squeeze %dma_wait3A_354 : memref<1x2x26624xf32, #tpu.memory_space<vmem>> -> memref<2x26624xf32, #tpu.memory_space<vmem>>
    tpu.wait_dma2 semaphore(%arg11 : memref<!tpu.dma_semaphore, #tpu.memory_space<semaphore_mem>>) src(%dma_wait3A_355 : memref<2x26624xf32, #tpu.memory_space<vmem>>) dst(%dma_wait3A_351 : memref<2x26624xf32, #tpu.memory_space<hbm>>)
    %add3A_356 = arith.constant 14 : i32
    %add3A_357 = arith.addi %mul3A_2, %add3A_356 : i32
    %dma_start3A_358 = arith.constant 1 : i32
    %dma_start3A_359 = arith.constant 0 : i32
    %dma_start3A_360 = arith.constant 0 : i32
    %dma_start3A_361 = tpu.memref_slice %arg6[%dma_start3A_358, %dma_start3A_359, %dma_start3A_360] : memref<2x2x26624xf32, #tpu.memory_space<vmem>> -> memref<1x2x26624xf32, #tpu.memory_space<vmem>>
    %dma_start3A_362 = tpu.memref_squeeze %dma_start3A_361 : memref<1x2x26624xf32, #tpu.memory_space<vmem>> -> memref<2x26624xf32, #tpu.memory_space<vmem>>
    %dma_start3A_363 = arith.constant 0 : i32
    %dma_start3A_364 = tpu.memref_slice %arg2[%add3A_357, %dma_start3A_363] : memref<1024x26624xf32, #tpu.memory_space<hbm>> -> memref<2x26624xf32, #tpu.memory_space<hbm>>
    %dma_start3A_365 = arith.constant 0 : i32
    %dma_start3A_366 = arith.constant 0 : i32
    %dma_start3A_367 = tpu.memref_slice %arg6[%dma_start3A_358, %dma_start3A_365, %dma_start3A_366] : memref<2x2x26624xf32, #tpu.memory_space<vmem>> -> memref<1x2x26624xf32, #tpu.memory_space<vmem>>
    %dma_start3A_368 = tpu.memref_squeeze %dma_start3A_367 : memref<1x2x26624xf32, #tpu.memory_space<vmem>> -> memref<2x26624xf32, #tpu.memory_space<vmem>>
    %dma_start3A_369 = arith.constant 0 : i32
    %dma_start3A_370 = tpu.memref_slice %arg2[%add3A_357, %dma_start3A_369] : memref<1024x26624xf32, #tpu.memory_space<hbm>> -> memref<2x26624xf32, #tpu.memory_space<hbm>>
    tpu.enqueue_dma source(%dma_start3A_370 : memref<2x26624xf32, #tpu.memory_space<hbm>>) target(%dma_start3A_368 : memref<2x26624xf32, #tpu.memory_space<vmem>>) target_semaphore(%arg9 : memref<!tpu.dma_semaphore, #tpu.memory_space<semaphore_mem>>)
    %dma_wait3A_371 = arith.constant 0 : i32
    %dma_wait3A_372 = arith.constant 0 : i32
    %dma_wait3A_373 = arith.constant 0 : i32
    %dma_wait3A_374 = tpu.memref_slice %arg6[%dma_wait3A_371, %dma_wait3A_372, %dma_wait3A_373] : memref<2x2x26624xf32, #tpu.memory_space<vmem>> -> memref<1x2x26624xf32, #tpu.memory_space<vmem>>
    %dma_wait3A_375 = tpu.memref_squeeze %dma_wait3A_374 : memref<1x2x26624xf32, #tpu.memory_space<vmem>> -> memref<2x26624xf32, #tpu.memory_space<vmem>>
    %dma_wait3A_376 = arith.constant 0 : i32
    %dma_wait3A_377 = tpu.memref_slice %arg2[%add3A_301, %dma_wait3A_376] : memref<1024x26624xf32, #tpu.memory_space<hbm>> -> memref<2x26624xf32, #tpu.memory_space<hbm>>
    %dma_wait3A_378 = arith.constant 0 : i32
    %dma_wait3A_379 = arith.constant 0 : i32
    %dma_wait3A_380 = tpu.memref_slice %arg6[%dma_wait3A_371, %dma_wait3A_378, %dma_wait3A_379] : memref<2x2x26624xf32, #tpu.memory_space<vmem>> -> memref<1x2x26624xf32, #tpu.memory_space<vmem>>
    %dma_wait3A_381 = tpu.memref_squeeze %dma_wait3A_380 : memref<1x2x26624xf32, #tpu.memory_space<vmem>> -> memref<2x26624xf32, #tpu.memory_space<vmem>>
    %dma_wait3A_382 = arith.constant 0 : i32
    %dma_wait3A_383 = tpu.memref_slice %arg2[%add3A_301, %dma_wait3A_382] : memref<1024x26624xf32, #tpu.memory_space<hbm>> -> memref<2x26624xf32, #tpu.memory_space<hbm>>
    tpu.wait_dma2 semaphore(%arg8 : memref<!tpu.dma_semaphore, #tpu.memory_space<semaphore_mem>>) src(%dma_wait3A_383 : memref<2x26624xf32, #tpu.memory_space<hbm>>) dst(%dma_wait3A_381 : memref<2x26624xf32, #tpu.memory_space<vmem>>)
    %add3A_384 = arith.constant 12 : i32
    %add3A_385 = arith.addi %mul3A_2, %add3A_384 : i32
    %dma_start3A_386 = arith.constant 0 : i32
    %dma_start3A_387 = arith.constant 0 : i32
    %dma_start3A_388 = arith.constant 0 : i32
    %dma_start3A_389 = tpu.memref_slice %arg6[%dma_start3A_386, %dma_start3A_387, %dma_start3A_388] : memref<2x2x26624xf32, #tpu.memory_space<vmem>> -> memref<1x2x26624xf32, #tpu.memory_space<vmem>>
    %dma_start3A_390 = tpu.memref_squeeze %dma_start3A_389 : memref<1x2x26624xf32, #tpu.memory_space<vmem>> -> memref<2x26624xf32, #tpu.memory_space<vmem>>
    %dma_start3A_391 = arith.constant 0 : i32
    %dma_start3A_392 = tpu.memref_slice %arg4[%add3A_385, %dma_start3A_391] : memref<1024x26624xf32, #tpu.memory_space<hbm>> -> memref<2x26624xf32, #tpu.memory_space<hbm>>
    %dma_start3A_393 = arith.constant 0 : i32
    %dma_start3A_394 = tpu.memref_slice %arg4[%add3A_385, %dma_start3A_393] : memref<1024x26624xf32, #tpu.memory_space<hbm>> -> memref<2x26624xf32, #tpu.memory_space<hbm>>
    %dma_start3A_395 = arith.constant 0 : i32
    %dma_start3A_396 = arith.constant 0 : i32
    %dma_start3A_397 = tpu.memref_slice %arg6[%dma_start3A_386, %dma_start3A_395, %dma_start3A_396] : memref<2x2x26624xf32, #tpu.memory_space<vmem>> -> memref<1x2x26624xf32, #tpu.memory_space<vmem>>
    %dma_start3A_398 = tpu.memref_squeeze %dma_start3A_397 : memref<1x2x26624xf32, #tpu.memory_space<vmem>> -> memref<2x26624xf32, #tpu.memory_space<vmem>>
    tpu.enqueue_dma source(%dma_start3A_398 : memref<2x26624xf32, #tpu.memory_space<vmem>>) target(%dma_start3A_394 : memref<2x26624xf32, #tpu.memory_space<hbm>>) target_semaphore(%arg10 : memref<!tpu.dma_semaphore, #tpu.memory_space<semaphore_mem>>)
    %dma_wait3A_399 = arith.constant 0 : i32
    %dma_wait3A_400 = arith.constant 0 : i32
    %dma_wait3A_401 = arith.constant 0 : i32
    %dma_wait3A_402 = tpu.memref_slice %arg6[%dma_wait3A_399, %dma_wait3A_400, %dma_wait3A_401] : memref<2x2x26624xf32, #tpu.memory_space<vmem>> -> memref<1x2x26624xf32, #tpu.memory_space<vmem>>
    %dma_wait3A_403 = tpu.memref_squeeze %dma_wait3A_402 : memref<1x2x26624xf32, #tpu.memory_space<vmem>> -> memref<2x26624xf32, #tpu.memory_space<vmem>>
    %dma_wait3A_404 = arith.constant 0 : i32
    %dma_wait3A_405 = tpu.memref_slice %arg4[%add3A_385, %dma_wait3A_404] : memref<1024x26624xf32, #tpu.memory_space<hbm>> -> memref<2x26624xf32, #tpu.memory_space<hbm>>
    %dma_wait3A_406 = arith.constant 0 : i32
    %dma_wait3A_407 = tpu.memref_slice %arg4[%add3A_385, %dma_wait3A_406] : memref<1024x26624xf32, #tpu.memory_space<hbm>> -> memref<2x26624xf32, #tpu.memory_space<hbm>>
    %dma_wait3A_408 = arith.constant 0 : i32
    %dma_wait3A_409 = arith.constant 0 : i32
    %dma_wait3A_410 = tpu.memref_slice %arg6[%dma_wait3A_399, %dma_wait3A_408, %dma_wait3A_409] : memref<2x2x26624xf32, #tpu.memory_space<vmem>> -> memref<1x2x26624xf32, #tpu.memory_space<vmem>>
    %dma_wait3A_411 = tpu.memref_squeeze %dma_wait3A_410 : memref<1x2x26624xf32, #tpu.memory_space<vmem>> -> memref<2x26624xf32, #tpu.memory_space<vmem>>
    tpu.wait_dma2 semaphore(%arg10 : memref<!tpu.dma_semaphore, #tpu.memory_space<semaphore_mem>>) src(%dma_wait3A_411 : memref<2x26624xf32, #tpu.memory_space<vmem>>) dst(%dma_wait3A_407 : memref<2x26624xf32, #tpu.memory_space<hbm>>)
    %add3A_412 = arith.constant 16 : i32
    %add3A_413 = arith.addi %mul3A_2, %add3A_412 : i32
    %dma_start3A_414 = arith.constant 0 : i32
    %dma_start3A_415 = arith.constant 0 : i32
    %dma_start3A_416 = arith.constant 0 : i32
    %dma_start3A_417 = tpu.memref_slice %arg6[%dma_start3A_414, %dma_start3A_415, %dma_start3A_416] : memref<2x2x26624xf32, #tpu.memory_space<vmem>> -> memref<1x2x26624xf32, #tpu.memory_space<vmem>>
    %dma_start3A_418 = tpu.memref_squeeze %dma_start3A_417 : memref<1x2x26624xf32, #tpu.memory_space<vmem>> -> memref<2x26624xf32, #tpu.memory_space<vmem>>
    %dma_start3A_419 = arith.constant 0 : i32
    %dma_start3A_420 = tpu.memref_slice %arg2[%add3A_413, %dma_start3A_419] : memref<1024x26624xf32, #tpu.memory_space<hbm>> -> memref<2x26624xf32, #tpu.memory_space<hbm>>
    %dma_start3A_421 = arith.constant 0 : i32
    %dma_start3A_422 = arith.constant 0 : i32
    %dma_start3A_423 = tpu.memref_slice %arg6[%dma_start3A_414, %dma_start3A_421, %dma_start3A_422] : memref<2x2x26624xf32, #tpu.memory_space<vmem>> -> memref<1x2x26624xf32, #tpu.memory_space<vmem>>
    %dma_start3A_424 = tpu.memref_squeeze %dma_start3A_423 : memref<1x2x26624xf32, #tpu.memory_space<vmem>> -> memref<2x26624xf32, #tpu.memory_space<vmem>>
    %dma_start3A_425 = arith.constant 0 : i32
    %dma_start3A_426 = tpu.memref_slice %arg2[%add3A_413, %dma_start3A_425] : memref<1024x26624xf32, #tpu.memory_space<hbm>> -> memref<2x26624xf32, #tpu.memory_space<hbm>>
    tpu.enqueue_dma source(%dma_start3A_426 : memref<2x26624xf32, #tpu.memory_space<hbm>>) target(%dma_start3A_424 : memref<2x26624xf32, #tpu.memory_space<vmem>>) target_semaphore(%arg8 : memref<!tpu.dma_semaphore, #tpu.memory_space<semaphore_mem>>)
    %dma_wait3A_427 = arith.constant 1 : i32
    %dma_wait3A_428 = arith.constant 0 : i32
    %dma_wait3A_429 = arith.constant 0 : i32
    %dma_wait3A_430 = tpu.memref_slice %arg6[%dma_wait3A_427, %dma_wait3A_428, %dma_wait3A_429] : memref<2x2x26624xf32, #tpu.memory_space<vmem>> -> memref<1x2x26624xf32, #tpu.memory_space<vmem>>
    %dma_wait3A_431 = tpu.memref_squeeze %dma_wait3A_430 : memref<1x2x26624xf32, #tpu.memory_space<vmem>> -> memref<2x26624xf32, #tpu.memory_space<vmem>>
    %dma_wait3A_432 = arith.constant 0 : i32
    %dma_wait3A_433 = tpu.memref_slice %arg2[%add3A_357, %dma_wait3A_432] : memref<1024x26624xf32, #tpu.memory_space<hbm>> -> memref<2x26624xf32, #tpu.memory_space<hbm>>
    %dma_wait3A_434 = arith.constant 0 : i32
    %dma_wait3A_435 = arith.constant 0 : i32
    %dma_wait3A_436 = tpu.memref_slice %arg6[%dma_wait3A_427, %dma_wait3A_434, %dma_wait3A_435] : memref<2x2x26624xf32, #tpu.memory_space<vmem>> -> memref<1x2x26624xf32, #tpu.memory_space<vmem>>
    %dma_wait3A_437 = tpu.memref_squeeze %dma_wait3A_436 : memref<1x2x26624xf32, #tpu.memory_space<vmem>> -> memref<2x26624xf32, #tpu.memory_space<vmem>>
    %dma_wait3A_438 = arith.constant 0 : i32
    %dma_wait3A_439 = tpu.memref_slice %arg2[%add3A_357, %dma_wait3A_438] : memref<1024x26624xf32, #tpu.memory_space<hbm>> -> memref<2x26624xf32, #tpu.memory_space<hbm>>
    tpu.wait_dma2 semaphore(%arg9 : memref<!tpu.dma_semaphore, #tpu.memory_space<semaphore_mem>>) src(%dma_wait3A_439 : memref<2x26624xf32, #tpu.memory_space<hbm>>) dst(%dma_wait3A_437 : memref<2x26624xf32, #tpu.memory_space<vmem>>)
    %add3A_440 = arith.constant 14 : i32
    %add3A_441 = arith.addi %mul3A_2, %add3A_440 : i32
    %dma_start3A_442 = arith.constant 1 : i32
    %dma_start3A_443 = arith.constant 0 : i32
    %dma_start3A_444 = arith.constant 0 : i32
    %dma_start3A_445 = tpu.memref_slice %arg6[%dma_start3A_442, %dma_start3A_443, %dma_start3A_444] : memref<2x2x26624xf32, #tpu.memory_space<vmem>> -> memref<1x2x26624xf32, #tpu.memory_space<vmem>>
    %dma_start3A_446 = tpu.memref_squeeze %dma_start3A_445 : memref<1x2x26624xf32, #tpu.memory_space<vmem>> -> memref<2x26624xf32, #tpu.memory_space<vmem>>
    %dma_start3A_447 = arith.constant 0 : i32
    %dma_start3A_448 = tpu.memref_slice %arg4[%add3A_441, %dma_start3A_447] : memref<1024x26624xf32, #tpu.memory_space<hbm>> -> memref<2x26624xf32, #tpu.memory_space<hbm>>
    %dma_start3A_449 = arith.constant 0 : i32
    %dma_start3A_450 = tpu.memref_slice %arg4[%add3A_441, %dma_start3A_449] : memref<1024x26624xf32, #tpu.memory_space<hbm>> -> memref<2x26624xf32, #tpu.memory_space<hbm>>
    %dma_start3A_451 = arith.constant 0 : i32
    %dma_start3A_452 = arith.constant 0 : i32
    %dma_start3A_453 = tpu.memref_slice %arg6[%dma_start3A_442, %dma_start3A_451, %dma_start3A_452] : memref<2x2x26624xf32, #tpu.memory_space<vmem>> -> memref<1x2x26624xf32, #tpu.memory_space<vmem>>
    %dma_start3A_454 = tpu.memref_squeeze %dma_start3A_453 : memref<1x2x26624xf32, #tpu.memory_space<vmem>> -> memref<2x26624xf32, #tpu.memory_space<vmem>>
    tpu.enqueue_dma source(%dma_start3A_454 : memref<2x26624xf32, #tpu.memory_space<vmem>>) target(%dma_start3A_450 : memref<2x26624xf32, #tpu.memory_space<hbm>>) target_semaphore(%arg11 : memref<!tpu.dma_semaphore, #tpu.memory_space<semaphore_mem>>)
    %dma_wait3A_455 = arith.constant 1 : i32
    %dma_wait3A_456 = arith.constant 0 : i32
    %dma_wait3A_457 = arith.constant 0 : i32
    %dma_wait3A_458 = tpu.memref_slice %arg6[%dma_wait3A_455, %dma_wait3A_456, %dma_wait3A_457] : memref<2x2x26624xf32, #tpu.memory_space<vmem>> -> memref<1x2x26624xf32, #tpu.memory_space<vmem>>
    %dma_wait3A_459 = tpu.memref_squeeze %dma_wait3A_458 : memref<1x2x26624xf32, #tpu.memory_space<vmem>> -> memref<2x26624xf32, #tpu.memory_space<vmem>>
    %dma_wait3A_460 = arith.constant 0 : i32
    %dma_wait3A_461 = tpu.memref_slice %arg4[%add3A_441, %dma_wait3A_460] : memref<1024x26624xf32, #tpu.memory_space<hbm>> -> memref<2x26624xf32, #tpu.memory_space<hbm>>
    %dma_wait3A_462 = arith.constant 0 : i32
    %dma_wait3A_463 = tpu.memref_slice %arg4[%add3A_441, %dma_wait3A_462] : memref<1024x26624xf32, #tpu.memory_space<hbm>> -> memref<2x26624xf32, #tpu.memory_space<hbm>>
    %dma_wait3A_464 = arith.constant 0 : i32
    %dma_wait3A_465 = arith.constant 0 : i32
    %dma_wait3A_466 = tpu.memref_slice %arg6[%dma_wait3A_455, %dma_wait3A_464, %dma_wait3A_465] : memref<2x2x26624xf32, #tpu.memory_space<vmem>> -> memref<1x2x26624xf32, #tpu.memory_space<vmem>>
    %dma_wait3A_467 = tpu.memref_squeeze %dma_wait3A_466 : memref<1x2x26624xf32, #tpu.memory_space<vmem>> -> memref<2x26624xf32, #tpu.memory_space<vmem>>
    tpu.wait_dma2 semaphore(%arg11 : memref<!tpu.dma_semaphore, #tpu.memory_space<semaphore_mem>>) src(%dma_wait3A_467 : memref<2x26624xf32, #tpu.memory_space<vmem>>) dst(%dma_wait3A_463 : memref<2x26624xf32, #tpu.memory_space<hbm>>)
    %add3A_468 = arith.constant 18 : i32
    %add3A_469 = arith.addi %mul3A_2, %add3A_468 : i32
    %dma_start3A_470 = arith.constant 1 : i32
    %dma_start3A_471 = arith.constant 0 : i32
    %dma_start3A_472 = arith.constant 0 : i32
    %dma_start3A_473 = tpu.memref_slice %arg6[%dma_start3A_470, %dma_start3A_471, %dma_start3A_472] : memref<2x2x26624xf32, #tpu.memory_space<vmem>> -> memref<1x2x26624xf32, #tpu.memory_space<vmem>>
    %dma_start3A_474 = tpu.memref_squeeze %dma_start3A_473 : memref<1x2x26624xf32, #tpu.memory_space<vmem>> -> memref<2x26624xf32, #tpu.memory_space<vmem>>
    %dma_start3A_475 = arith.constant 0 : i32
    %dma_start3A_476 = tpu.memref_slice %arg2[%add3A_469, %dma_start3A_475] : memref<1024x26624xf32, #tpu.memory_space<hbm>> -> memref<2x26624xf32, #tpu.memory_space<hbm>>
    %dma_start3A_477 = arith.constant 0 : i32
    %dma_start3A_478 = arith.constant 0 : i32
    %dma_start3A_479 = tpu.memref_slice %arg6[%dma_start3A_470, %dma_start3A_477, %dma_start3A_478] : memref<2x2x26624xf32, #tpu.memory_space<vmem>> -> memref<1x2x26624xf32, #tpu.memory_space<vmem>>
    %dma_start3A_480 = tpu.memref_squeeze %dma_start3A_479 : memref<1x2x26624xf32, #tpu.memory_space<vmem>> -> memref<2x26624xf32, #tpu.memory_space<vmem>>
    %dma_start3A_481 = arith.constant 0 : i32
    %dma_start3A_482 = tpu.memref_slice %arg2[%add3A_469, %dma_start3A_481] : memref<1024x26624xf32, #tpu.memory_space<hbm>> -> memref<2x26624xf32, #tpu.memory_space<hbm>>
    tpu.enqueue_dma source(%dma_start3A_482 : memref<2x26624xf32, #tpu.memory_space<hbm>>) target(%dma_start3A_480 : memref<2x26624xf32, #tpu.memory_space<vmem>>) target_semaphore(%arg9 : memref<!tpu.dma_semaphore, #tpu.memory_space<semaphore_mem>>)
    %dma_wait3A_483 = arith.constant 0 : i32
    %dma_wait3A_484 = arith.constant 0 : i32
    %dma_wait3A_485 = arith.constant 0 : i32
    %dma_wait3A_486 = tpu.memref_slice %arg6[%dma_wait3A_483, %dma_wait3A_484, %dma_wait3A_485] : memref<2x2x26624xf32, #tpu.memory_space<vmem>> -> memref<1x2x26624xf32, #tpu.memory_space<vmem>>
    %dma_wait3A_487 = tpu.memref_squeeze %dma_wait3A_486 : memref<1x2x26624xf32, #tpu.memory_space<vmem>> -> memref<2x26624xf32, #tpu.memory_space<vmem>>
    %dma_wait3A_488 = arith.constant 0 : i32
    %dma_wait3A_489 = tpu.memref_slice %arg2[%add3A_413, %dma_wait3A_488] : memref<1024x26624xf32, #tpu.memory_space<hbm>> -> memref<2x26624xf32, #tpu.memory_space<hbm>>
    %dma_wait3A_490 = arith.constant 0 : i32
    %dma_wait3A_491 = arith.constant 0 : i32
    %dma_wait3A_492 = tpu.memref_slice %arg6[%dma_wait3A_483, %dma_wait3A_490, %dma_wait3A_491] : memref<2x2x26624xf32, #tpu.memory_space<vmem>> -> memref<1x2x26624xf32, #tpu.memory_space<vmem>>
    %dma_wait3A_493 = tpu.memref_squeeze %dma_wait3A_492 : memref<1x2x26624xf32, #tpu.memory_space<vmem>> -> memref<2x26624xf32, #tpu.memory_space<vmem>>
    %dma_wait3A_494 = arith.constant 0 : i32
    %dma_wait3A_495 = tpu.memref_slice %arg2[%add3A_413, %dma_wait3A_494] : memref<1024x26624xf32, #tpu.memory_space<hbm>> -> memref<2x26624xf32, #tpu.memory_space<hbm>>
    tpu.wait_dma2 semaphore(%arg8 : memref<!tpu.dma_semaphore, #tpu.memory_space<semaphore_mem>>) src(%dma_wait3A_495 : memref<2x26624xf32, #tpu.memory_space<hbm>>) dst(%dma_wait3A_493 : memref<2x26624xf32, #tpu.memory_space<vmem>>)
    %add3A_496 = arith.constant 16 : i32
    %add3A_497 = arith.addi %mul3A_2, %add3A_496 : i32
    %dma_start3A_498 = arith.constant 0 : i32
    %dma_start3A_499 = arith.constant 0 : i32
    %dma_start3A_500 = arith.constant 0 : i32
    %dma_start3A_501 = tpu.memref_slice %arg6[%dma_start3A_498, %dma_start3A_499, %dma_start3A_500] : memref<2x2x26624xf32, #tpu.memory_space<vmem>> -> memref<1x2x26624xf32, #tpu.memory_space<vmem>>
    %dma_start3A_502 = tpu.memref_squeeze %dma_start3A_501 : memref<1x2x26624xf32, #tpu.memory_space<vmem>> -> memref<2x26624xf32, #tpu.memory_space<vmem>>
    %dma_start3A_503 = arith.constant 0 : i32
    %dma_start3A_504 = tpu.memref_slice %arg4[%add3A_497, %dma_start3A_503] : memref<1024x26624xf32, #tpu.memory_space<hbm>> -> memref<2x26624xf32, #tpu.memory_space<hbm>>
    %dma_start3A_505 = arith.constant 0 : i32
    %dma_start3A_506 = tpu.memref_slice %arg4[%add3A_497, %dma_start3A_505] : memref<1024x26624xf32, #tpu.memory_space<hbm>> -> memref<2x26624xf32, #tpu.memory_space<hbm>>
    %dma_start3A_507 = arith.constant 0 : i32
    %dma_start3A_508 = arith.constant 0 : i32
    %dma_start3A_509 = tpu.memref_slice %arg6[%dma_start3A_498, %dma_start3A_507, %dma_start3A_508] : memref<2x2x26624xf32, #tpu.memory_space<vmem>> -> memref<1x2x26624xf32, #tpu.memory_space<vmem>>
    %dma_start3A_510 = tpu.memref_squeeze %dma_start3A_509 : memref<1x2x26624xf32, #tpu.memory_space<vmem>> -> memref<2x26624xf32, #tpu.memory_space<vmem>>
    tpu.enqueue_dma source(%dma_start3A_510 : memref<2x26624xf32, #tpu.memory_space<vmem>>) target(%dma_start3A_506 : memref<2x26624xf32, #tpu.memory_space<hbm>>) target_semaphore(%arg10 : memref<!tpu.dma_semaphore, #tpu.memory_space<semaphore_mem>>)
    %dma_wait3A_511 = arith.constant 0 : i32
    %dma_wait3A_512 = arith.constant 0 : i32
    %dma_wait3A_513 = arith.constant 0 : i32
    %dma_wait3A_514 = tpu.memref_slice %arg6[%dma_wait3A_511, %dma_wait3A_512, %dma_wait3A_513] : memref<2x2x26624xf32, #tpu.memory_space<vmem>> -> memref<1x2x26624xf32, #tpu.memory_space<vmem>>
    %dma_wait3A_515 = tpu.memref_squeeze %dma_wait3A_514 : memref<1x2x26624xf32, #tpu.memory_space<vmem>> -> memref<2x26624xf32, #tpu.memory_space<vmem>>
    %dma_wait3A_516 = arith.constant 0 : i32
    %dma_wait3A_517 = tpu.memref_slice %arg4[%add3A_497, %dma_wait3A_516] : memref<1024x26624xf32, #tpu.memory_space<hbm>> -> memref<2x26624xf32, #tpu.memory_space<hbm>>
    %dma_wait3A_518 = arith.constant 0 : i32
    %dma_wait3A_519 = tpu.memref_slice %arg4[%add3A_497, %dma_wait3A_518] : memref<1024x26624xf32, #tpu.memory_space<hbm>> -> memref<2x26624xf32, #tpu.memory_space<hbm>>
    %dma_wait3A_520 = arith.constant 0 : i32
    %dma_wait3A_521 = arith.constant 0 : i32
    %dma_wait3A_522 = tpu.memref_slice %arg6[%dma_wait3A_511, %dma_wait3A_520, %dma_wait3A_521] : memref<2x2x26624xf32, #tpu.memory_space<vmem>> -> memref<1x2x26624xf32, #tpu.memory_space<vmem>>
    %dma_wait3A_523 = tpu.memref_squeeze %dma_wait3A_522 : memref<1x2x26624xf32, #tpu.memory_space<vmem>> -> memref<2x26624xf32, #tpu.memory_space<vmem>>
    tpu.wait_dma2 semaphore(%arg10 : memref<!tpu.dma_semaphore, #tpu.memory_space<semaphore_mem>>) src(%dma_wait3A_523 : memref<2x26624xf32, #tpu.memory_space<vmem>>) dst(%dma_wait3A_519 : memref<2x26624xf32, #tpu.memory_space<hbm>>)
    %add3A_524 = arith.constant 20 : i32
    %add3A_525 = arith.addi %mul3A_2, %add3A_524 : i32
    %dma_start3A_526 = arith.constant 0 : i32
    %dma_start3A_527 = arith.constant 0 : i32
    %dma_start3A_528 = arith.constant 0 : i32
    %dma_start3A_529 = tpu.memref_slice %arg6[%dma_start3A_526, %dma_start3A_527, %dma_start3A_528] : memref<2x2x26624xf32, #tpu.memory_space<vmem>> -> memref<1x2x26624xf32, #tpu.memory_space<vmem>>
    %dma_start3A_530 = tpu.memref_squeeze %dma_start3A_529 : memref<1x2x26624xf32, #tpu.memory_space<vmem>> -> memref<2x26624xf32, #tpu.memory_space<vmem>>
    %dma_start3A_531 = arith.constant 0 : i32
    %dma_start3A_532 = tpu.memref_slice %arg2[%add3A_525, %dma_start3A_531] : memref<1024x26624xf32, #tpu.memory_space<hbm>> -> memref<2x26624xf32, #tpu.memory_space<hbm>>
    %dma_start3A_533 = arith.constant 0 : i32
    %dma_start3A_534 = arith.constant 0 : i32
    %dma_start3A_535 = tpu.memref_slice %arg6[%dma_start3A_526, %dma_start3A_533, %dma_start3A_534] : memref<2x2x26624xf32, #tpu.memory_space<vmem>> -> memref<1x2x26624xf32, #tpu.memory_space<vmem>>
    %dma_start3A_536 = tpu.memref_squeeze %dma_start3A_535 : memref<1x2x26624xf32, #tpu.memory_space<vmem>> -> memref<2x26624xf32, #tpu.memory_space<vmem>>
    %dma_start3A_537 = arith.constant 0 : i32
    %dma_start3A_538 = tpu.memref_slice %arg2[%add3A_525, %dma_start3A_537] : memref<1024x26624xf32, #tpu.memory_space<hbm>> -> memref<2x26624xf32, #tpu.memory_space<hbm>>
    tpu.enqueue_dma source(%dma_start3A_538 : memref<2x26624xf32, #tpu.memory_space<hbm>>) target(%dma_start3A_536 : memref<2x26624xf32, #tpu.memory_space<vmem>>) target_semaphore(%arg8 : memref<!tpu.dma_semaphore, #tpu.memory_space<semaphore_mem>>)
    %dma_wait3A_539 = arith.constant 1 : i32
    %dma_wait3A_540 = arith.constant 0 : i32
    %dma_wait3A_541 = arith.constant 0 : i32
    %dma_wait3A_542 = tpu.memref_slice %arg6[%dma_wait3A_539, %dma_wait3A_540, %dma_wait3A_541] : memref<2x2x26624xf32, #tpu.memory_space<vmem>> -> memref<1x2x26624xf32, #tpu.memory_space<vmem>>
    %dma_wait3A_543 = tpu.memref_squeeze %dma_wait3A_542 : memref<1x2x26624xf32, #tpu.memory_space<vmem>> -> memref<2x26624xf32, #tpu.memory_space<vmem>>
    %dma_wait3A_544 = arith.constant 0 : i32
    %dma_wait3A_545 = tpu.memref_slice %arg2[%add3A_469, %dma_wait3A_544] : memref<1024x26624xf32, #tpu.memory_space<hbm>> -> memref<2x26624xf32, #tpu.memory_space<hbm>>
    %dma_wait3A_546 = arith.constant 0 : i32
    %dma_wait3A_547 = arith.constant 0 : i32
    %dma_wait3A_548 = tpu.memref_slice %arg6[%dma_wait3A_539, %dma_wait3A_546, %dma_wait3A_547] : memref<2x2x26624xf32, #tpu.memory_space<vmem>> -> memref<1x2x26624xf32, #tpu.memory_space<vmem>>
    %dma_wait3A_549 = tpu.memref_squeeze %dma_wait3A_548 : memref<1x2x26624xf32, #tpu.memory_space<vmem>> -> memref<2x26624xf32, #tpu.memory_space<vmem>>
    %dma_wait3A_550 = arith.constant 0 : i32
    %dma_wait3A_551 = tpu.memref_slice %arg2[%add3A_469, %dma_wait3A_550] : memref<1024x26624xf32, #tpu.memory_space<hbm>> -> memref<2x26624xf32, #tpu.memory_space<hbm>>
    tpu.wait_dma2 semaphore(%arg9 : memref<!tpu.dma_semaphore, #tpu.memory_space<semaphore_mem>>) src(%dma_wait3A_551 : memref<2x26624xf32, #tpu.memory_space<hbm>>) dst(%dma_wait3A_549 : memref<2x26624xf32, #tpu.memory_space<vmem>>)
    %add3A_552 = arith.constant 18 : i32
    %add3A_553 = arith.addi %mul3A_2, %add3A_552 : i32
    %dma_start3A_554 = arith.constant 1 : i32
    %dma_start3A_555 = arith.constant 0 : i32
    %dma_start3A_556 = arith.constant 0 : i32
    %dma_start3A_557 = tpu.memref_slice %arg6[%dma_start3A_554, %dma_start3A_555, %dma_start3A_556] : memref<2x2x26624xf32, #tpu.memory_space<vmem>> -> memref<1x2x26624xf32, #tpu.memory_space<vmem>>
    %dma_start3A_558 = tpu.memref_squeeze %dma_start3A_557 : memref<1x2x26624xf32, #tpu.memory_space<vmem>> -> memref<2x26624xf32, #tpu.memory_space<vmem>>
    %dma_start3A_559 = arith.constant 0 : i32
    %dma_start3A_560 = tpu.memref_slice %arg4[%add3A_553, %dma_start3A_559] : memref<1024x26624xf32, #tpu.memory_space<hbm>> -> memref<2x26624xf32, #tpu.memory_space<hbm>>
    %dma_start3A_561 = arith.constant 0 : i32
    %dma_start3A_562 = tpu.memref_slice %arg4[%add3A_553, %dma_start3A_561] : memref<1024x26624xf32, #tpu.memory_space<hbm>> -> memref<2x26624xf32, #tpu.memory_space<hbm>>
    %dma_start3A_563 = arith.constant 0 : i32
    %dma_start3A_564 = arith.constant 0 : i32
    %dma_start3A_565 = tpu.memref_slice %arg6[%dma_start3A_554, %dma_start3A_563, %dma_start3A_564] : memref<2x2x26624xf32, #tpu.memory_space<vmem>> -> memref<1x2x26624xf32, #tpu.memory_space<vmem>>
    %dma_start3A_566 = tpu.memref_squeeze %dma_start3A_565 : memref<1x2x26624xf32, #tpu.memory_space<vmem>> -> memref<2x26624xf32, #tpu.memory_space<vmem>>
    tpu.enqueue_dma source(%dma_start3A_566 : memref<2x26624xf32, #tpu.memory_space<vmem>>) target(%dma_start3A_562 : memref<2x26624xf32, #tpu.memory_space<hbm>>) target_semaphore(%arg11 : memref<!tpu.dma_semaphore, #tpu.memory_space<semaphore_mem>>)
    %dma_wait3A_567 = arith.constant 1 : i32
    %dma_wait3A_568 = arith.constant 0 : i32
    %dma_wait3A_569 = arith.constant 0 : i32
    %dma_wait3A_570 = tpu.memref_slice %arg6[%dma_wait3A_567, %dma_wait3A_568, %dma_wait3A_569] : memref<2x2x26624xf32, #tpu.memory_space<vmem>> -> memref<1x2x26624xf32, #tpu.memory_space<vmem>>
    %dma_wait3A_571 = tpu.memref_squeeze %dma_wait3A_570 : memref<1x2x26624xf32, #tpu.memory_space<vmem>> -> memref<2x26624xf32, #tpu.memory_space<vmem>>
    %dma_wait3A_572 = arith.constant 0 : i32
    %dma_wait3A_573 = tpu.memref_slice %arg4[%add3A_553, %dma_wait3A_572] : memref<1024x26624xf32, #tpu.memory_space<hbm>> -> memref<2x26624xf32, #tpu.memory_space<hbm>>
    %dma_wait3A_574 = arith.constant 0 : i32
    %dma_wait3A_575 = tpu.memref_slice %arg4[%add3A_553, %dma_wait3A_574] : memref<1024x26624xf32, #tpu.memory_space<hbm>> -> memref<2x26624xf32, #tpu.memory_space<hbm>>
    %dma_wait3A_576 = arith.constant 0 : i32
    %dma_wait3A_577 = arith.constant 0 : i32
    %dma_wait3A_578 = tpu.memref_slice %arg6[%dma_wait3A_567, %dma_wait3A_576, %dma_wait3A_577] : memref<2x2x26624xf32, #tpu.memory_space<vmem>> -> memref<1x2x26624xf32, #tpu.memory_space<vmem>>
    %dma_wait3A_579 = tpu.memref_squeeze %dma_wait3A_578 : memref<1x2x26624xf32, #tpu.memory_space<vmem>> -> memref<2x26624xf32, #tpu.memory_space<vmem>>
    tpu.wait_dma2 semaphore(%arg11 : memref<!tpu.dma_semaphore, #tpu.memory_space<semaphore_mem>>) src(%dma_wait3A_579 : memref<2x26624xf32, #tpu.memory_space<vmem>>) dst(%dma_wait3A_575 : memref<2x26624xf32, #tpu.memory_space<hbm>>)
    %add3A_580 = arith.constant 22 : i32
    %add3A_581 = arith.addi %mul3A_2, %add3A_580 : i32
    %dma_start3A_582 = arith.constant 1 : i32
    %dma_start3A_583 = arith.constant 0 : i32
    %dma_start3A_584 = arith.constant 0 : i32
    %dma_start3A_585 = tpu.memref_slice %arg6[%dma_start3A_582, %dma_start3A_583, %dma_start3A_584] : memref<2x2x26624xf32, #tpu.memory_space<vmem>> -> memref<1x2x26624xf32, #tpu.memory_space<vmem>>
    %dma_start3A_586 = tpu.memref_squeeze %dma_start3A_585 : memref<1x2x26624xf32, #tpu.memory_space<vmem>> -> memref<2x26624xf32, #tpu.memory_space<vmem>>
    %dma_start3A_587 = arith.constant 0 : i32
    %dma_start3A_588 = tpu.memref_slice %arg2[%add3A_581, %dma_start3A_587] : memref<1024x26624xf32, #tpu.memory_space<hbm>> -> memref<2x26624xf32, #tpu.memory_space<hbm>>
    %dma_start3A_589 = arith.constant 0 : i32
    %dma_start3A_590 = arith.constant 0 : i32
    %dma_start3A_591 = tpu.memref_slice %arg6[%dma_start3A_582, %dma_start3A_589, %dma_start3A_590] : memref<2x2x26624xf32, #tpu.memory_space<vmem>> -> memref<1x2x26624xf32, #tpu.memory_space<vmem>>
    %dma_start3A_592 = tpu.memref_squeeze %dma_start3A_591 : memref<1x2x26624xf32, #tpu.memory_space<vmem>> -> memref<2x26624xf32, #tpu.memory_space<vmem>>
    %dma_start3A_593 = arith.constant 0 : i32
    %dma_start3A_594 = tpu.memref_slice %arg2[%add3A_581, %dma_start3A_593] : memref<1024x26624xf32, #tpu.memory_space<hbm>> -> memref<2x26624xf32, #tpu.memory_space<hbm>>
    tpu.enqueue_dma source(%dma_start3A_594 : memref<2x26624xf32, #tpu.memory_space<hbm>>) target(%dma_start3A_592 : memref<2x26624xf32, #tpu.memory_space<vmem>>) target_semaphore(%arg9 : memref<!tpu.dma_semaphore, #tpu.memory_space<semaphore_mem>>)
    %dma_wait3A_595 = arith.constant 0 : i32
    %dma_wait3A_596 = arith.constant 0 : i32
    %dma_wait3A_597 = arith.constant 0 : i32
    %dma_wait3A_598 = tpu.memref_slice %arg6[%dma_wait3A_595, %dma_wait3A_596, %dma_wait3A_597] : memref<2x2x26624xf32, #tpu.memory_space<vmem>> -> memref<1x2x26624xf32, #tpu.memory_space<vmem>>
    %dma_wait3A_599 = tpu.memref_squeeze %dma_wait3A_598 : memref<1x2x26624xf32, #tpu.memory_space<vmem>> -> memref<2x26624xf32, #tpu.memory_space<vmem>>
    %dma_wait3A_600 = arith.constant 0 : i32
    %dma_wait3A_601 = tpu.memref_slice %arg2[%add3A_525, %dma_wait3A_600] : memref<1024x26624xf32, #tpu.memory_space<hbm>> -> memref<2x26624xf32, #tpu.memory_space<hbm>>
    %dma_wait3A_602 = arith.constant 0 : i32
    %dma_wait3A_603 = arith.constant 0 : i32
    %dma_wait3A_604 = tpu.memref_slice %arg6[%dma_wait3A_595, %dma_wait3A_602, %dma_wait3A_603] : memref<2x2x26624xf32, #tpu.memory_space<vmem>> -> memref<1x2x26624xf32, #tpu.memory_space<vmem>>
    %dma_wait3A_605 = tpu.memref_squeeze %dma_wait3A_604 : memref<1x2x26624xf32, #tpu.memory_space<vmem>> -> memref<2x26624xf32, #tpu.memory_space<vmem>>
    %dma_wait3A_606 = arith.constant 0 : i32
    %dma_wait3A_607 = tpu.memref_slice %arg2[%add3A_525, %dma_wait3A_606] : memref<1024x26624xf32, #tpu.memory_space<hbm>> -> memref<2x26624xf32, #tpu.memory_space<hbm>>
    tpu.wait_dma2 semaphore(%arg8 : memref<!tpu.dma_semaphore, #tpu.memory_space<semaphore_mem>>) src(%dma_wait3A_607 : memref<2x26624xf32, #tpu.memory_space<hbm>>) dst(%dma_wait3A_605 : memref<2x26624xf32, #tpu.memory_space<vmem>>)
    %add3A_608 = arith.constant 20 : i32
    %add3A_609 = arith.addi %mul3A_2, %add3A_608 : i32
    %dma_start3A_610 = arith.constant 0 : i32
    %dma_start3A_611 = arith.constant 0 : i32
    %dma_start3A_612 = arith.constant 0 : i32
    %dma_start3A_613 = tpu.memref_slice %arg6[%dma_start3A_610, %dma_start3A_611, %dma_start3A_612] : memref<2x2x26624xf32, #tpu.memory_space<vmem>> -> memref<1x2x26624xf32, #tpu.memory_space<vmem>>
    %dma_start3A_614 = tpu.memref_squeeze %dma_start3A_613 : memref<1x2x26624xf32, #tpu.memory_space<vmem>> -> memref<2x26624xf32, #tpu.memory_space<vmem>>
    %dma_start3A_615 = arith.constant 0 : i32
    %dma_start3A_616 = tpu.memref_slice %arg4[%add3A_609, %dma_start3A_615] : memref<1024x26624xf32, #tpu.memory_space<hbm>> -> memref<2x26624xf32, #tpu.memory_space<hbm>>
    %dma_start3A_617 = arith.constant 0 : i32
    %dma_start3A_618 = tpu.memref_slice %arg4[%add3A_609, %dma_start3A_617] : memref<1024x26624xf32, #tpu.memory_space<hbm>> -> memref<2x26624xf32, #tpu.memory_space<hbm>>
    %dma_start3A_619 = arith.constant 0 : i32
    %dma_start3A_620 = arith.constant 0 : i32
    %dma_start3A_621 = tpu.memref_slice %arg6[%dma_start3A_610, %dma_start3A_619, %dma_start3A_620] : memref<2x2x26624xf32, #tpu.memory_space<vmem>> -> memref<1x2x26624xf32, #tpu.memory_space<vmem>>
    %dma_start3A_622 = tpu.memref_squeeze %dma_start3A_621 : memref<1x2x26624xf32, #tpu.memory_space<vmem>> -> memref<2x26624xf32, #tpu.memory_space<vmem>>
    tpu.enqueue_dma source(%dma_start3A_622 : memref<2x26624xf32, #tpu.memory_space<vmem>>) target(%dma_start3A_618 : memref<2x26624xf32, #tpu.memory_space<hbm>>) target_semaphore(%arg10 : memref<!tpu.dma_semaphore, #tpu.memory_space<semaphore_mem>>)
    %dma_wait3A_623 = arith.constant 0 : i32
    %dma_wait3A_624 = arith.constant 0 : i32
    %dma_wait3A_625 = arith.constant 0 : i32
    %dma_wait3A_626 = tpu.memref_slice %arg6[%dma_wait3A_623, %dma_wait3A_624, %dma_wait3A_625] : memref<2x2x26624xf32, #tpu.memory_space<vmem>> -> memref<1x2x26624xf32, #tpu.memory_space<vmem>>
    %dma_wait3A_627 = tpu.memref_squeeze %dma_wait3A_626 : memref<1x2x26624xf32, #tpu.memory_space<vmem>> -> memref<2x26624xf32, #tpu.memory_space<vmem>>
    %dma_wait3A_628 = arith.constant 0 : i32
    %dma_wait3A_629 = tpu.memref_slice %arg4[%add3A_609, %dma_wait3A_628] : memref<1024x26624xf32, #tpu.memory_space<hbm>> -> memref<2x26624xf32, #tpu.memory_space<hbm>>
    %dma_wait3A_630 = arith.constant 0 : i32
    %dma_wait3A_631 = tpu.memref_slice %arg4[%add3A_609, %dma_wait3A_630] : memref<1024x26624xf32, #tpu.memory_space<hbm>> -> memref<2x26624xf32, #tpu.memory_space<hbm>>
    %dma_wait3A_632 = arith.constant 0 : i32
    %dma_wait3A_633 = arith.constant 0 : i32
    %dma_wait3A_634 = tpu.memref_slice %arg6[%dma_wait3A_623, %dma_wait3A_632, %dma_wait3A_633] : memref<2x2x26624xf32, #tpu.memory_space<vmem>> -> memref<1x2x26624xf32, #tpu.memory_space<vmem>>
    %dma_wait3A_635 = tpu.memref_squeeze %dma_wait3A_634 : memref<1x2x26624xf32, #tpu.memory_space<vmem>> -> memref<2x26624xf32, #tpu.memory_space<vmem>>
    tpu.wait_dma2 semaphore(%arg10 : memref<!tpu.dma_semaphore, #tpu.memory_space<semaphore_mem>>) src(%dma_wait3A_635 : memref<2x26624xf32, #tpu.memory_space<vmem>>) dst(%dma_wait3A_631 : memref<2x26624xf32, #tpu.memory_space<hbm>>)
    %add3A_636 = arith.constant 24 : i32
    %add3A_637 = arith.addi %mul3A_2, %add3A_636 : i32
    %dma_start3A_638 = arith.constant 0 : i32
    %dma_start3A_639 = arith.constant 0 : i32
    %dma_start3A_640 = arith.constant 0 : i32
    %dma_start3A_641 = tpu.memref_slice %arg6[%dma_start3A_638, %dma_start3A_639, %dma_start3A_640] : memref<2x2x26624xf32, #tpu.memory_space<vmem>> -> memref<1x2x26624xf32, #tpu.memory_space<vmem>>
    %dma_start3A_642 = tpu.memref_squeeze %dma_start3A_641 : memref<1x2x26624xf32, #tpu.memory_space<vmem>> -> memref<2x26624xf32, #tpu.memory_space<vmem>>
    %dma_start3A_643 = arith.constant 0 : i32
    %dma_start3A_644 = tpu.memref_slice %arg2[%add3A_637, %dma_start3A_643] : memref<1024x26624xf32, #tpu.memory_space<hbm>> -> memref<2x26624xf32, #tpu.memory_space<hbm>>
    %dma_start3A_645 = arith.constant 0 : i32
    %dma_start3A_646 = arith.constant 0 : i32
    %dma_start3A_647 = tpu.memref_slice %arg6[%dma_start3A_638, %dma_start3A_645, %dma_start3A_646] : memref<2x2x26624xf32, #tpu.memory_space<vmem>> -> memref<1x2x26624xf32, #tpu.memory_space<vmem>>
    %dma_start3A_648 = tpu.memref_squeeze %dma_start3A_647 : memref<1x2x26624xf32, #tpu.memory_space<vmem>> -> memref<2x26624xf32, #tpu.memory_space<vmem>>
    %dma_start3A_649 = arith.constant 0 : i32
    %dma_start3A_650 = tpu.memref_slice %arg2[%add3A_637, %dma_start3A_649] : memref<1024x26624xf32, #tpu.memory_space<hbm>> -> memref<2x26624xf32, #tpu.memory_space<hbm>>
    tpu.enqueue_dma source(%dma_start3A_650 : memref<2x26624xf32, #tpu.memory_space<hbm>>) target(%dma_start3A_648 : memref<2x26624xf32, #tpu.memory_space<vmem>>) target_semaphore(%arg8 : memref<!tpu.dma_semaphore, #tpu.memory_space<semaphore_mem>>)
    %dma_wait3A_651 = arith.constant 1 : i32
    %dma_wait3A_652 = arith.constant 0 : i32
    %dma_wait3A_653 = arith.constant 0 : i32
    %dma_wait3A_654 = tpu.memref_slice %arg6[%dma_wait3A_651, %dma_wait3A_652, %dma_wait3A_653] : memref<2x2x26624xf32, #tpu.memory_space<vmem>> -> memref<1x2x26624xf32, #tpu.memory_space<vmem>>
    %dma_wait3A_655 = tpu.memref_squeeze %dma_wait3A_654 : memref<1x2x26624xf32, #tpu.memory_space<vmem>> -> memref<2x26624xf32, #tpu.memory_space<vmem>>
    %dma_wait3A_656 = arith.constant 0 : i32
    %dma_wait3A_657 = tpu.memref_slice %arg2[%add3A_581, %dma_wait3A_656] : memref<1024x26624xf32, #tpu.memory_space<hbm>> -> memref<2x26624xf32, #tpu.memory_space<hbm>>
    %dma_wait3A_658 = arith.constant 0 : i32
    %dma_wait3A_659 = arith.constant 0 : i32
    %dma_wait3A_660 = tpu.memref_slice %arg6[%dma_wait3A_651, %dma_wait3A_658, %dma_wait3A_659] : memref<2x2x26624xf32, #tpu.memory_space<vmem>> -> memref<1x2x26624xf32, #tpu.memory_space<vmem>>
    %dma_wait3A_661 = tpu.memref_squeeze %dma_wait3A_660 : memref<1x2x26624xf32, #tpu.memory_space<vmem>> -> memref<2x26624xf32, #tpu.memory_space<vmem>>
    %dma_wait3A_662 = arith.constant 0 : i32
    %dma_wait3A_663 = tpu.memref_slice %arg2[%add3A_581, %dma_wait3A_662] : memref<1024x26624xf32, #tpu.memory_space<hbm>> -> memref<2x26624xf32, #tpu.memory_space<hbm>>
    tpu.wait_dma2 semaphore(%arg9 : memref<!tpu.dma_semaphore, #tpu.memory_space<semaphore_mem>>) src(%dma_wait3A_663 : memref<2x26624xf32, #tpu.memory_space<hbm>>) dst(%dma_wait3A_661 : memref<2x26624xf32, #tpu.memory_space<vmem>>)
    %add3A_664 = arith.constant 22 : i32
    %add3A_665 = arith.addi %mul3A_2, %add3A_664 : i32
    %dma_start3A_666 = arith.constant 1 : i32
    %dma_start3A_667 = arith.constant 0 : i32
    %dma_start3A_668 = arith.constant 0 : i32
    %dma_start3A_669 = tpu.memref_slice %arg6[%dma_start3A_666, %dma_start3A_667, %dma_start3A_668] : memref<2x2x26624xf32, #tpu.memory_space<vmem>> -> memref<1x2x26624xf32, #tpu.memory_space<vmem>>
    %dma_start3A_670 = tpu.memref_squeeze %dma_start3A_669 : memref<1x2x26624xf32, #tpu.memory_space<vmem>> -> memref<2x26624xf32, #tpu.memory_space<vmem>>
    %dma_start3A_671 = arith.constant 0 : i32
    %dma_start3A_672 = tpu.memref_slice %arg4[%add3A_665, %dma_start3A_671] : memref<1024x26624xf32, #tpu.memory_space<hbm>> -> memref<2x26624xf32, #tpu.memory_space<hbm>>
    %dma_start3A_673 = arith.constant 0 : i32
    %dma_start3A_674 = tpu.memref_slice %arg4[%add3A_665, %dma_start3A_673] : memref<1024x26624xf32, #tpu.memory_space<hbm>> -> memref<2x26624xf32, #tpu.memory_space<hbm>>
    %dma_start3A_675 = arith.constant 0 : i32
    %dma_start3A_676 = arith.constant 0 : i32
    %dma_start3A_677 = tpu.memref_slice %arg6[%dma_start3A_666, %dma_start3A_675, %dma_start3A_676] : memref<2x2x26624xf32, #tpu.memory_space<vmem>> -> memref<1x2x26624xf32, #tpu.memory_space<vmem>>
    %dma_start3A_678 = tpu.memref_squeeze %dma_start3A_677 : memref<1x2x26624xf32, #tpu.memory_space<vmem>> -> memref<2x26624xf32, #tpu.memory_space<vmem>>
    tpu.enqueue_dma source(%dma_start3A_678 : memref<2x26624xf32, #tpu.memory_space<vmem>>) target(%dma_start3A_674 : memref<2x26624xf32, #tpu.memory_space<hbm>>) target_semaphore(%arg11 : memref<!tpu.dma_semaphore, #tpu.memory_space<semaphore_mem>>)
    %dma_wait3A_679 = arith.constant 1 : i32
    %dma_wait3A_680 = arith.constant 0 : i32
    %dma_wait3A_681 = arith.constant 0 : i32
    %dma_wait3A_682 = tpu.memref_slice %arg6[%dma_wait3A_679, %dma_wait3A_680, %dma_wait3A_681] : memref<2x2x26624xf32, #tpu.memory_space<vmem>> -> memref<1x2x26624xf32, #tpu.memory_space<vmem>>
    %dma_wait3A_683 = tpu.memref_squeeze %dma_wait3A_682 : memref<1x2x26624xf32, #tpu.memory_space<vmem>> -> memref<2x26624xf32, #tpu.memory_space<vmem>>
    %dma_wait3A_684 = arith.constant 0 : i32
    %dma_wait3A_685 = tpu.memref_slice %arg4[%add3A_665, %dma_wait3A_684] : memref<1024x26624xf32, #tpu.memory_space<hbm>> -> memref<2x26624xf32, #tpu.memory_space<hbm>>
    %dma_wait3A_686 = arith.constant 0 : i32
    %dma_wait3A_687 = tpu.memref_slice %arg4[%add3A_665, %dma_wait3A_686] : memref<1024x26624xf32, #tpu.memory_space<hbm>> -> memref<2x26624xf32, #tpu.memory_space<hbm>>
    %dma_wait3A_688 = arith.constant 0 : i32
    %dma_wait3A_689 = arith.constant 0 : i32
    %dma_wait3A_690 = tpu.memref_slice %arg6[%dma_wait3A_679, %dma_wait3A_688, %dma_wait3A_689] : memref<2x2x26624xf32, #tpu.memory_space<vmem>> -> memref<1x2x26624xf32, #tpu.memory_space<vmem>>
    %dma_wait3A_691 = tpu.memref_squeeze %dma_wait3A_690 : memref<1x2x26624xf32, #tpu.memory_space<vmem>> -> memref<2x26624xf32, #tpu.memory_space<vmem>>
    tpu.wait_dma2 semaphore(%arg11 : memref<!tpu.dma_semaphore, #tpu.memory_space<semaphore_mem>>) src(%dma_wait3A_691 : memref<2x26624xf32, #tpu.memory_space<vmem>>) dst(%dma_wait3A_687 : memref<2x26624xf32, #tpu.memory_space<hbm>>)
    %add3A_692 = arith.constant 26 : i32
    %add3A_693 = arith.addi %mul3A_2, %add3A_692 : i32
    %dma_start3A_694 = arith.constant 1 : i32
    %dma_start3A_695 = arith.constant 0 : i32
    %dma_start3A_696 = arith.constant 0 : i32
    %dma_start3A_697 = tpu.memref_slice %arg6[%dma_start3A_694, %dma_start3A_695, %dma_start3A_696] : memref<2x2x26624xf32, #tpu.memory_space<vmem>> -> memref<1x2x26624xf32, #tpu.memory_space<vmem>>
    %dma_start3A_698 = tpu.memref_squeeze %dma_start3A_697 : memref<1x2x26624xf32, #tpu.memory_space<vmem>> -> memref<2x26624xf32, #tpu.memory_space<vmem>>
    %dma_start3A_699 = arith.constant 0 : i32
    %dma_start3A_700 = tpu.memref_slice %arg2[%add3A_693, %dma_start3A_699] : memref<1024x26624xf32, #tpu.memory_space<hbm>> -> memref<2x26624xf32, #tpu.memory_space<hbm>>
    %dma_start3A_701 = arith.constant 0 : i32
    %dma_start3A_702 = arith.constant 0 : i32
    %dma_start3A_703 = tpu.memref_slice %arg6[%dma_start3A_694, %dma_start3A_701, %dma_start3A_702] : memref<2x2x26624xf32, #tpu.memory_space<vmem>> -> memref<1x2x26624xf32, #tpu.memory_space<vmem>>
    %dma_start3A_704 = tpu.memref_squeeze %dma_start3A_703 : memref<1x2x26624xf32, #tpu.memory_space<vmem>> -> memref<2x26624xf32, #tpu.memory_space<vmem>>
    %dma_start3A_705 = arith.constant 0 : i32
    %dma_start3A_706 = tpu.memref_slice %arg2[%add3A_693, %dma_start3A_705] : memref<1024x26624xf32, #tpu.memory_space<hbm>> -> memref<2x26624xf32, #tpu.memory_space<hbm>>
    tpu.enqueue_dma source(%dma_start3A_706 : memref<2x26624xf32, #tpu.memory_space<hbm>>) target(%dma_start3A_704 : memref<2x26624xf32, #tpu.memory_space<vmem>>) target_semaphore(%arg9 : memref<!tpu.dma_semaphore, #tpu.memory_space<semaphore_mem>>)
    %dma_wait3A_707 = arith.constant 0 : i32
    %dma_wait3A_708 = arith.constant 0 : i32
    %dma_wait3A_709 = arith.constant 0 : i32
    %dma_wait3A_710 = tpu.memref_slice %arg6[%dma_wait3A_707, %dma_wait3A_708, %dma_wait3A_709] : memref<2x2x26624xf32, #tpu.memory_space<vmem>> -> memref<1x2x26624xf32, #tpu.memory_space<vmem>>
    %dma_wait3A_711 = tpu.memref_squeeze %dma_wait3A_710 : memref<1x2x26624xf32, #tpu.memory_space<vmem>> -> memref<2x26624xf32, #tpu.memory_space<vmem>>
    %dma_wait3A_712 = arith.constant 0 : i32
    %dma_wait3A_713 = tpu.memref_slice %arg2[%add3A_637, %dma_wait3A_712] : memref<1024x26624xf32, #tpu.memory_space<hbm>> -> memref<2x26624xf32, #tpu.memory_space<hbm>>
    %dma_wait3A_714 = arith.constant 0 : i32
    %dma_wait3A_715 = arith.constant 0 : i32
    %dma_wait3A_716 = tpu.memref_slice %arg6[%dma_wait3A_707, %dma_wait3A_714, %dma_wait3A_715] : memref<2x2x26624xf32, #tpu.memory_space<vmem>> -> memref<1x2x26624xf32, #tpu.memory_space<vmem>>
    %dma_wait3A_717 = tpu.memref_squeeze %dma_wait3A_716 : memref<1x2x26624xf32, #tpu.memory_space<vmem>> -> memref<2x26624xf32, #tpu.memory_space<vmem>>
    %dma_wait3A_718 = arith.constant 0 : i32
    %dma_wait3A_719 = tpu.memref_slice %arg2[%add3A_637, %dma_wait3A_718] : memref<1024x26624xf32, #tpu.memory_space<hbm>> -> memref<2x26624xf32, #tpu.memory_space<hbm>>
    tpu.wait_dma2 semaphore(%arg8 : memref<!tpu.dma_semaphore, #tpu.memory_space<semaphore_mem>>) src(%dma_wait3A_719 : memref<2x26624xf32, #tpu.memory_space<hbm>>) dst(%dma_wait3A_717 : memref<2x26624xf32, #tpu.memory_space<vmem>>)
    %add3A_720 = arith.constant 24 : i32
    %add3A_721 = arith.addi %mul3A_2, %add3A_720 : i32
    %dma_start3A_722 = arith.constant 0 : i32
    %dma_start3A_723 = arith.constant 0 : i32
    %dma_start3A_724 = arith.constant 0 : i32
    %dma_start3A_725 = tpu.memref_slice %arg6[%dma_start3A_722, %dma_start3A_723, %dma_start3A_724] : memref<2x2x26624xf32, #tpu.memory_space<vmem>> -> memref<1x2x26624xf32, #tpu.memory_space<vmem>>
    %dma_start3A_726 = tpu.memref_squeeze %dma_start3A_725 : memref<1x2x26624xf32, #tpu.memory_space<vmem>> -> memref<2x26624xf32, #tpu.memory_space<vmem>>
    %dma_start3A_727 = arith.constant 0 : i32
    %dma_start3A_728 = tpu.memref_slice %arg4[%add3A_721, %dma_start3A_727] : memref<1024x26624xf32, #tpu.memory_space<hbm>> -> memref<2x26624xf32, #tpu.memory_space<hbm>>
    %dma_start3A_729 = arith.constant 0 : i32
    %dma_start3A_730 = tpu.memref_slice %arg4[%add3A_721, %dma_start3A_729] : memref<1024x26624xf32, #tpu.memory_space<hbm>> -> memref<2x26624xf32, #tpu.memory_space<hbm>>
    %dma_start3A_731 = arith.constant 0 : i32
    %dma_start3A_732 = arith.constant 0 : i32
    %dma_start3A_733 = tpu.memref_slice %arg6[%dma_start3A_722, %dma_start3A_731, %dma_start3A_732] : memref<2x2x26624xf32, #tpu.memory_space<vmem>> -> memref<1x2x26624xf32, #tpu.memory_space<vmem>>
    %dma_start3A_734 = tpu.memref_squeeze %dma_start3A_733 : memref<1x2x26624xf32, #tpu.memory_space<vmem>> -> memref<2x26624xf32, #tpu.memory_space<vmem>>
    tpu.enqueue_dma source(%dma_start3A_734 : memref<2x26624xf32, #tpu.memory_space<vmem>>) target(%dma_start3A_730 : memref<2x26624xf32, #tpu.memory_space<hbm>>) target_semaphore(%arg10 : memref<!tpu.dma_semaphore, #tpu.memory_space<semaphore_mem>>)
    %dma_wait3A_735 = arith.constant 0 : i32
    %dma_wait3A_736 = arith.constant 0 : i32
    %dma_wait3A_737 = arith.constant 0 : i32
    %dma_wait3A_738 = tpu.memref_slice %arg6[%dma_wait3A_735, %dma_wait3A_736, %dma_wait3A_737] : memref<2x2x26624xf32, #tpu.memory_space<vmem>> -> memref<1x2x26624xf32, #tpu.memory_space<vmem>>
    %dma_wait3A_739 = tpu.memref_squeeze %dma_wait3A_738 : memref<1x2x26624xf32, #tpu.memory_space<vmem>> -> memref<2x26624xf32, #tpu.memory_space<vmem>>
    %dma_wait3A_740 = arith.constant 0 : i32
    %dma_wait3A_741 = tpu.memref_slice %arg4[%add3A_721, %dma_wait3A_740] : memref<1024x26624xf32, #tpu.memory_space<hbm>> -> memref<2x26624xf32, #tpu.memory_space<hbm>>
    %dma_wait3A_742 = arith.constant 0 : i32
    %dma_wait3A_743 = tpu.memref_slice %arg4[%add3A_721, %dma_wait3A_742] : memref<1024x26624xf32, #tpu.memory_space<hbm>> -> memref<2x26624xf32, #tpu.memory_space<hbm>>
    %dma_wait3A_744 = arith.constant 0 : i32
    %dma_wait3A_745 = arith.constant 0 : i32
    %dma_wait3A_746 = tpu.memref_slice %arg6[%dma_wait3A_735, %dma_wait3A_744, %dma_wait3A_745] : memref<2x2x26624xf32, #tpu.memory_space<vmem>> -> memref<1x2x26624xf32, #tpu.memory_space<vmem>>
    %dma_wait3A_747 = tpu.memref_squeeze %dma_wait3A_746 : memref<1x2x26624xf32, #tpu.memory_space<vmem>> -> memref<2x26624xf32, #tpu.memory_space<vmem>>
    tpu.wait_dma2 semaphore(%arg10 : memref<!tpu.dma_semaphore, #tpu.memory_space<semaphore_mem>>) src(%dma_wait3A_747 : memref<2x26624xf32, #tpu.memory_space<vmem>>) dst(%dma_wait3A_743 : memref<2x26624xf32, #tpu.memory_space<hbm>>)
    %add3A_748 = arith.constant 28 : i32
    %add3A_749 = arith.addi %mul3A_2, %add3A_748 : i32
    %dma_start3A_750 = arith.constant 0 : i32
    %dma_start3A_751 = arith.constant 0 : i32
    %dma_start3A_752 = arith.constant 0 : i32
    %dma_start3A_753 = tpu.memref_slice %arg6[%dma_start3A_750, %dma_start3A_751, %dma_start3A_752] : memref<2x2x26624xf32, #tpu.memory_space<vmem>> -> memref<1x2x26624xf32, #tpu.memory_space<vmem>>
    %dma_start3A_754 = tpu.memref_squeeze %dma_start3A_753 : memref<1x2x26624xf32, #tpu.memory_space<vmem>> -> memref<2x26624xf32, #tpu.memory_space<vmem>>
    %dma_start3A_755 = arith.constant 0 : i32
    %dma_start3A_756 = tpu.memref_slice %arg2[%add3A_749, %dma_start3A_755] : memref<1024x26624xf32, #tpu.memory_space<hbm>> -> memref<2x26624xf32, #tpu.memory_space<hbm>>
    %dma_start3A_757 = arith.constant 0 : i32
    %dma_start3A_758 = arith.constant 0 : i32
    %dma_start3A_759 = tpu.memref_slice %arg6[%dma_start3A_750, %dma_start3A_757, %dma_start3A_758] : memref<2x2x26624xf32, #tpu.memory_space<vmem>> -> memref<1x2x26624xf32, #tpu.memory_space<vmem>>
    %dma_start3A_760 = tpu.memref_squeeze %dma_start3A_759 : memref<1x2x26624xf32, #tpu.memory_space<vmem>> -> memref<2x26624xf32, #tpu.memory_space<vmem>>
    %dma_start3A_761 = arith.constant 0 : i32
    %dma_start3A_762 = tpu.memref_slice %arg2[%add3A_749, %dma_start3A_761] : memref<1024x26624xf32, #tpu.memory_space<hbm>> -> memref<2x26624xf32, #tpu.memory_space<hbm>>
    tpu.enqueue_dma source(%dma_start3A_762 : memref<2x26624xf32, #tpu.memory_space<hbm>>) target(%dma_start3A_760 : memref<2x26624xf32, #tpu.memory_space<vmem>>) target_semaphore(%arg8 : memref<!tpu.dma_semaphore, #tpu.memory_space<semaphore_mem>>)
    %dma_wait3A_763 = arith.constant 1 : i32
    %dma_wait3A_764 = arith.constant 0 : i32
    %dma_wait3A_765 = arith.constant 0 : i32
    %dma_wait3A_766 = tpu.memref_slice %arg6[%dma_wait3A_763, %dma_wait3A_764, %dma_wait3A_765] : memref<2x2x26624xf32, #tpu.memory_space<vmem>> -> memref<1x2x26624xf32, #tpu.memory_space<vmem>>
    %dma_wait3A_767 = tpu.memref_squeeze %dma_wait3A_766 : memref<1x2x26624xf32, #tpu.memory_space<vmem>> -> memref<2x26624xf32, #tpu.memory_space<vmem>>
    %dma_wait3A_768 = arith.constant 0 : i32
    %dma_wait3A_769 = tpu.memref_slice %arg2[%add3A_693, %dma_wait3A_768] : memref<1024x26624xf32, #tpu.memory_space<hbm>> -> memref<2x26624xf32, #tpu.memory_space<hbm>>
    %dma_wait3A_770 = arith.constant 0 : i32
    %dma_wait3A_771 = arith.constant 0 : i32
    %dma_wait3A_772 = tpu.memref_slice %arg6[%dma_wait3A_763, %dma_wait3A_770, %dma_wait3A_771] : memref<2x2x26624xf32, #tpu.memory_space<vmem>> -> memref<1x2x26624xf32, #tpu.memory_space<vmem>>
    %dma_wait3A_773 = tpu.memref_squeeze %dma_wait3A_772 : memref<1x2x26624xf32, #tpu.memory_space<vmem>> -> memref<2x26624xf32, #tpu.memory_space<vmem>>
    %dma_wait3A_774 = arith.constant 0 : i32
    %dma_wait3A_775 = tpu.memref_slice %arg2[%add3A_693, %dma_wait3A_774] : memref<1024x26624xf32, #tpu.memory_space<hbm>> -> memref<2x26624xf32, #tpu.memory_space<hbm>>
    tpu.wait_dma2 semaphore(%arg9 : memref<!tpu.dma_semaphore, #tpu.memory_space<semaphore_mem>>) src(%dma_wait3A_775 : memref<2x26624xf32, #tpu.memory_space<hbm>>) dst(%dma_wait3A_773 : memref<2x26624xf32, #tpu.memory_space<vmem>>)
    %add3A_776 = arith.constant 26 : i32
    %add3A_777 = arith.addi %mul3A_2, %add3A_776 : i32
    %dma_start3A_778 = arith.constant 1 : i32
    %dma_start3A_779 = arith.constant 0 : i32
    %dma_start3A_780 = arith.constant 0 : i32
    %dma_start3A_781 = tpu.memref_slice %arg6[%dma_start3A_778, %dma_start3A_779, %dma_start3A_780] : memref<2x2x26624xf32, #tpu.memory_space<vmem>> -> memref<1x2x26624xf32, #tpu.memory_space<vmem>>
    %dma_start3A_782 = tpu.memref_squeeze %dma_start3A_781 : memref<1x2x26624xf32, #tpu.memory_space<vmem>> -> memref<2x26624xf32, #tpu.memory_space<vmem>>
    %dma_start3A_783 = arith.constant 0 : i32
    %dma_start3A_784 = tpu.memref_slice %arg4[%add3A_777, %dma_start3A_783] : memref<1024x26624xf32, #tpu.memory_space<hbm>> -> memref<2x26624xf32, #tpu.memory_space<hbm>>
    %dma_start3A_785 = arith.constant 0 : i32
    %dma_start3A_786 = tpu.memref_slice %arg4[%add3A_777, %dma_start3A_785] : memref<1024x26624xf32, #tpu.memory_space<hbm>> -> memref<2x26624xf32, #tpu.memory_space<hbm>>
    %dma_start3A_787 = arith.constant 0 : i32
    %dma_start3A_788 = arith.constant 0 : i32
    %dma_start3A_789 = tpu.memref_slice %arg6[%dma_start3A_778, %dma_start3A_787, %dma_start3A_788] : memref<2x2x26624xf32, #tpu.memory_space<vmem>> -> memref<1x2x26624xf32, #tpu.memory_space<vmem>>
    %dma_start3A_790 = tpu.memref_squeeze %dma_start3A_789 : memref<1x2x26624xf32, #tpu.memory_space<vmem>> -> memref<2x26624xf32, #tpu.memory_space<vmem>>
    tpu.enqueue_dma source(%dma_start3A_790 : memref<2x26624xf32, #tpu.memory_space<vmem>>) target(%dma_start3A_786 : memref<2x26624xf32, #tpu.memory_space<hbm>>) target_semaphore(%arg11 : memref<!tpu.dma_semaphore, #tpu.memory_space<semaphore_mem>>)
    %dma_wait3A_791 = arith.constant 1 : i32
    %dma_wait3A_792 = arith.constant 0 : i32
    %dma_wait3A_793 = arith.constant 0 : i32
    %dma_wait3A_794 = tpu.memref_slice %arg6[%dma_wait3A_791, %dma_wait3A_792, %dma_wait3A_793] : memref<2x2x26624xf32, #tpu.memory_space<vmem>> -> memref<1x2x26624xf32, #tpu.memory_space<vmem>>
    %dma_wait3A_795 = tpu.memref_squeeze %dma_wait3A_794 : memref<1x2x26624xf32, #tpu.memory_space<vmem>> -> memref<2x26624xf32, #tpu.memory_space<vmem>>
    %dma_wait3A_796 = arith.constant 0 : i32
    %dma_wait3A_797 = tpu.memref_slice %arg4[%add3A_777, %dma_wait3A_796] : memref<1024x26624xf32, #tpu.memory_space<hbm>> -> memref<2x26624xf32, #tpu.memory_space<hbm>>
    %dma_wait3A_798 = arith.constant 0 : i32
    %dma_wait3A_799 = tpu.memref_slice %arg4[%add3A_777, %dma_wait3A_798] : memref<1024x26624xf32, #tpu.memory_space<hbm>> -> memref<2x26624xf32, #tpu.memory_space<hbm>>
    %dma_wait3A_800 = arith.constant 0 : i32
    %dma_wait3A_801 = arith.constant 0 : i32
    %dma_wait3A_802 = tpu.memref_slice %arg6[%dma_wait3A_791, %dma_wait3A_800, %dma_wait3A_801] : memref<2x2x26624xf32, #tpu.memory_space<vmem>> -> memref<1x2x26624xf32, #tpu.memory_space<vmem>>
    %dma_wait3A_803 = tpu.memref_squeeze %dma_wait3A_802 : memref<1x2x26624xf32, #tpu.memory_space<vmem>> -> memref<2x26624xf32, #tpu.memory_space<vmem>>
    tpu.wait_dma2 semaphore(%arg11 : memref<!tpu.dma_semaphore, #tpu.memory_space<semaphore_mem>>) src(%dma_wait3A_803 : memref<2x26624xf32, #tpu.memory_space<vmem>>) dst(%dma_wait3A_799 : memref<2x26624xf32, #tpu.memory_space<hbm>>)
    %add3A_804 = arith.constant 30 : i32
    %add3A_805 = arith.addi %mul3A_2, %add3A_804 : i32
    %dma_start3A_806 = arith.constant 1 : i32
    %dma_start3A_807 = arith.constant 0 : i32
    %dma_start3A_808 = arith.constant 0 : i32
    %dma_start3A_809 = tpu.memref_slice %arg6[%dma_start3A_806, %dma_start3A_807, %dma_start3A_808] : memref<2x2x26624xf32, #tpu.memory_space<vmem>> -> memref<1x2x26624xf32, #tpu.memory_space<vmem>>
    %dma_start3A_810 = tpu.memref_squeeze %dma_start3A_809 : memref<1x2x26624xf32, #tpu.memory_space<vmem>> -> memref<2x26624xf32, #tpu.memory_space<vmem>>
    %dma_start3A_811 = arith.constant 0 : i32
    %dma_start3A_812 = tpu.memref_slice %arg2[%add3A_805, %dma_start3A_811] : memref<1024x26624xf32, #tpu.memory_space<hbm>> -> memref<2x26624xf32, #tpu.memory_space<hbm>>
    %dma_start3A_813 = arith.constant 0 : i32
    %dma_start3A_814 = arith.constant 0 : i32
    %dma_start3A_815 = tpu.memref_slice %arg6[%dma_start3A_806, %dma_start3A_813, %dma_start3A_814] : memref<2x2x26624xf32, #tpu.memory_space<vmem>> -> memref<1x2x26624xf32, #tpu.memory_space<vmem>>
    %dma_start3A_816 = tpu.memref_squeeze %dma_start3A_815 : memref<1x2x26624xf32, #tpu.memory_space<vmem>> -> memref<2x26624xf32, #tpu.memory_space<vmem>>
    %dma_start3A_817 = arith.constant 0 : i32
    %dma_start3A_818 = tpu.memref_slice %arg2[%add3A_805, %dma_start3A_817] : memref<1024x26624xf32, #tpu.memory_space<hbm>> -> memref<2x26624xf32, #tpu.memory_space<hbm>>
    tpu.enqueue_dma source(%dma_start3A_818 : memref<2x26624xf32, #tpu.memory_space<hbm>>) target(%dma_start3A_816 : memref<2x26624xf32, #tpu.memory_space<vmem>>) target_semaphore(%arg9 : memref<!tpu.dma_semaphore, #tpu.memory_space<semaphore_mem>>)
    %dma_wait3A_819 = arith.constant 0 : i32
    %dma_wait3A_820 = arith.constant 0 : i32
    %dma_wait3A_821 = arith.constant 0 : i32
    %dma_wait3A_822 = tpu.memref_slice %arg6[%dma_wait3A_819, %dma_wait3A_820, %dma_wait3A_821] : memref<2x2x26624xf32, #tpu.memory_space<vmem>> -> memref<1x2x26624xf32, #tpu.memory_space<vmem>>
    %dma_wait3A_823 = tpu.memref_squeeze %dma_wait3A_822 : memref<1x2x26624xf32, #tpu.memory_space<vmem>> -> memref<2x26624xf32, #tpu.memory_space<vmem>>
    %dma_wait3A_824 = arith.constant 0 : i32
    %dma_wait3A_825 = tpu.memref_slice %arg2[%add3A_749, %dma_wait3A_824] : memref<1024x26624xf32, #tpu.memory_space<hbm>> -> memref<2x26624xf32, #tpu.memory_space<hbm>>
    %dma_wait3A_826 = arith.constant 0 : i32
    %dma_wait3A_827 = arith.constant 0 : i32
    %dma_wait3A_828 = tpu.memref_slice %arg6[%dma_wait3A_819, %dma_wait3A_826, %dma_wait3A_827] : memref<2x2x26624xf32, #tpu.memory_space<vmem>> -> memref<1x2x26624xf32, #tpu.memory_space<vmem>>
    %dma_wait3A_829 = tpu.memref_squeeze %dma_wait3A_828 : memref<1x2x26624xf32, #tpu.memory_space<vmem>> -> memref<2x26624xf32, #tpu.memory_space<vmem>>
    %dma_wait3A_830 = arith.constant 0 : i32
    %dma_wait3A_831 = tpu.memref_slice %arg2[%add3A_749, %dma_wait3A_830] : memref<1024x26624xf32, #tpu.memory_space<hbm>> -> memref<2x26624xf32, #tpu.memory_space<hbm>>
    tpu.wait_dma2 semaphore(%arg8 : memref<!tpu.dma_semaphore, #tpu.memory_space<semaphore_mem>>) src(%dma_wait3A_831 : memref<2x26624xf32, #tpu.memory_space<hbm>>) dst(%dma_wait3A_829 : memref<2x26624xf32, #tpu.memory_space<vmem>>)
    %add3A_832 = arith.constant 28 : i32
    %add3A_833 = arith.addi %mul3A_2, %add3A_832 : i32
    %dma_start3A_834 = arith.constant 0 : i32
    %dma_start3A_835 = arith.constant 0 : i32
    %dma_start3A_836 = arith.constant 0 : i32
    %dma_start3A_837 = tpu.memref_slice %arg6[%dma_start3A_834, %dma_start3A_835, %dma_start3A_836] : memref<2x2x26624xf32, #tpu.memory_space<vmem>> -> memref<1x2x26624xf32, #tpu.memory_space<vmem>>
    %dma_start3A_838 = tpu.memref_squeeze %dma_start3A_837 : memref<1x2x26624xf32, #tpu.memory_space<vmem>> -> memref<2x26624xf32, #tpu.memory_space<vmem>>
    %dma_start3A_839 = arith.constant 0 : i32
    %dma_start3A_840 = tpu.memref_slice %arg4[%add3A_833, %dma_start3A_839] : memref<1024x26624xf32, #tpu.memory_space<hbm>> -> memref<2x26624xf32, #tpu.memory_space<hbm>>
    %dma_start3A_841 = arith.constant 0 : i32
    %dma_start3A_842 = tpu.memref_slice %arg4[%add3A_833, %dma_start3A_841] : memref<1024x26624xf32, #tpu.memory_space<hbm>> -> memref<2x26624xf32, #tpu.memory_space<hbm>>
    %dma_start3A_843 = arith.constant 0 : i32
    %dma_start3A_844 = arith.constant 0 : i32
    %dma_start3A_845 = tpu.memref_slice %arg6[%dma_start3A_834, %dma_start3A_843, %dma_start3A_844] : memref<2x2x26624xf32, #tpu.memory_space<vmem>> -> memref<1x2x26624xf32, #tpu.memory_space<vmem>>
    %dma_start3A_846 = tpu.memref_squeeze %dma_start3A_845 : memref<1x2x26624xf32, #tpu.memory_space<vmem>> -> memref<2x26624xf32, #tpu.memory_space<vmem>>
    tpu.enqueue_dma source(%dma_start3A_846 : memref<2x26624xf32, #tpu.memory_space<vmem>>) target(%dma_start3A_842 : memref<2x26624xf32, #tpu.memory_space<hbm>>) target_semaphore(%arg10 : memref<!tpu.dma_semaphore, #tpu.memory_space<semaphore_mem>>)
    %dma_wait3A_847 = arith.constant 1 : i32
    %dma_wait3A_848 = arith.constant 0 : i32
    %dma_wait3A_849 = arith.constant 0 : i32
    %dma_wait3A_850 = tpu.memref_slice %arg6[%dma_wait3A_847, %dma_wait3A_848, %dma_wait3A_849] : memref<2x2x26624xf32, #tpu.memory_space<vmem>> -> memref<1x2x26624xf32, #tpu.memory_space<vmem>>
    %dma_wait3A_851 = tpu.memref_squeeze %dma_wait3A_850 : memref<1x2x26624xf32, #tpu.memory_space<vmem>> -> memref<2x26624xf32, #tpu.memory_space<vmem>>
    %dma_wait3A_852 = arith.constant 0 : i32
    %dma_wait3A_853 = tpu.memref_slice %arg2[%add3A_805, %dma_wait3A_852] : memref<1024x26624xf32, #tpu.memory_space<hbm>> -> memref<2x26624xf32, #tpu.memory_space<hbm>>
    %dma_wait3A_854 = arith.constant 0 : i32
    %dma_wait3A_855 = arith.constant 0 : i32
    %dma_wait3A_856 = tpu.memref_slice %arg6[%dma_wait3A_847, %dma_wait3A_854, %dma_wait3A_855] : memref<2x2x26624xf32, #tpu.memory_space<vmem>> -> memref<1x2x26624xf32, #tpu.memory_space<vmem>>
    %dma_wait3A_857 = tpu.memref_squeeze %dma_wait3A_856 : memref<1x2x26624xf32, #tpu.memory_space<vmem>> -> memref<2x26624xf32, #tpu.memory_space<vmem>>
    %dma_wait3A_858 = arith.constant 0 : i32
    %dma_wait3A_859 = tpu.memref_slice %arg2[%add3A_805, %dma_wait3A_858] : memref<1024x26624xf32, #tpu.memory_space<hbm>> -> memref<2x26624xf32, #tpu.memory_space<hbm>>
    tpu.wait_dma2 semaphore(%arg9 : memref<!tpu.dma_semaphore, #tpu.memory_space<semaphore_mem>>) src(%dma_wait3A_859 : memref<2x26624xf32, #tpu.memory_space<hbm>>) dst(%dma_wait3A_857 : memref<2x26624xf32, #tpu.memory_space<vmem>>)
    %add3A_860 = arith.constant 30 : i32
    %add3A_861 = arith.addi %mul3A_2, %add3A_860 : i32
    %dma_start3A_862 = arith.constant 1 : i32
    %dma_start3A_863 = arith.constant 0 : i32
    %dma_start3A_864 = arith.constant 0 : i32
    %dma_start3A_865 = tpu.memref_slice %arg6[%dma_start3A_862, %dma_start3A_863, %dma_start3A_864] : memref<2x2x26624xf32, #tpu.memory_space<vmem>> -> memref<1x2x26624xf32, #tpu.memory_space<vmem>>
    %dma_start3A_866 = tpu.memref_squeeze %dma_start3A_865 : memref<1x2x26624xf32, #tpu.memory_space<vmem>> -> memref<2x26624xf32, #tpu.memory_space<vmem>>
    %dma_start3A_867 = arith.constant 0 : i32
    %dma_start3A_868 = tpu.memref_slice %arg4[%add3A_861, %dma_start3A_867] : memref<1024x26624xf32, #tpu.memory_space<hbm>> -> memref<2x26624xf32, #tpu.memory_space<hbm>>
    %dma_start3A_869 = arith.constant 0 : i32
    %dma_start3A_870 = tpu.memref_slice %arg4[%add3A_861, %dma_start3A_869] : memref<1024x26624xf32, #tpu.memory_space<hbm>> -> memref<2x26624xf32, #tpu.memory_space<hbm>>
    %dma_start3A_871 = arith.constant 0 : i32
    %dma_start3A_872 = arith.constant 0 : i32
    %dma_start3A_873 = tpu.memref_slice %arg6[%dma_start3A_862, %dma_start3A_871, %dma_start3A_872] : memref<2x2x26624xf32, #tpu.memory_space<vmem>> -> memref<1x2x26624xf32, #tpu.memory_space<vmem>>
    %dma_start3A_874 = tpu.memref_squeeze %dma_start3A_873 : memref<1x2x26624xf32, #tpu.memory_space<vmem>> -> memref<2x26624xf32, #tpu.memory_space<vmem>>
    tpu.enqueue_dma source(%dma_start3A_874 : memref<2x26624xf32, #tpu.memory_space<vmem>>) target(%dma_start3A_870 : memref<2x26624xf32, #tpu.memory_space<hbm>>) target_semaphore(%arg11 : memref<!tpu.dma_semaphore, #tpu.memory_space<semaphore_mem>>)
    %dma_wait3A_875 = arith.constant 0 : i32
    %dma_wait3A_876 = arith.constant 0 : i32
    %dma_wait3A_877 = arith.constant 0 : i32
    %dma_wait3A_878 = tpu.memref_slice %arg6[%dma_wait3A_875, %dma_wait3A_876, %dma_wait3A_877] : memref<2x2x26624xf32, #tpu.memory_space<vmem>> -> memref<1x2x26624xf32, #tpu.memory_space<vmem>>
    %dma_wait3A_879 = tpu.memref_squeeze %dma_wait3A_878 : memref<1x2x26624xf32, #tpu.memory_space<vmem>> -> memref<2x26624xf32, #tpu.memory_space<vmem>>
    %dma_wait3A_880 = arith.constant 0 : i32
    %dma_wait3A_881 = tpu.memref_slice %arg4[%add3A_833, %dma_wait3A_880] : memref<1024x26624xf32, #tpu.memory_space<hbm>> -> memref<2x26624xf32, #tpu.memory_space<hbm>>
    %dma_wait3A_882 = arith.constant 0 : i32
    %dma_wait3A_883 = tpu.memref_slice %arg4[%add3A_833, %dma_wait3A_882] : memref<1024x26624xf32, #tpu.memory_space<hbm>> -> memref<2x26624xf32, #tpu.memory_space<hbm>>
    %dma_wait3A_884 = arith.constant 0 : i32
    %dma_wait3A_885 = arith.constant 0 : i32
    %dma_wait3A_886 = tpu.memref_slice %arg6[%dma_wait3A_875, %dma_wait3A_884, %dma_wait3A_885] : memref<2x2x26624xf32, #tpu.memory_space<vmem>> -> memref<1x2x26624xf32, #tpu.memory_space<vmem>>
    %dma_wait3A_887 = tpu.memref_squeeze %dma_wait3A_886 : memref<1x2x26624xf32, #tpu.memory_space<vmem>> -> memref<2x26624xf32, #tpu.memory_space<vmem>>
    tpu.wait_dma2 semaphore(%arg10 : memref<!tpu.dma_semaphore, #tpu.memory_space<semaphore_mem>>) src(%dma_wait3A_887 : memref<2x26624xf32, #tpu.memory_space<vmem>>) dst(%dma_wait3A_883 : memref<2x26624xf32, #tpu.memory_space<hbm>>)
    %dma_wait3A_888 = arith.constant 1 : i32
    %dma_wait3A_889 = arith.constant 0 : i32
    %dma_wait3A_890 = arith.constant 0 : i32
    %dma_wait3A_891 = tpu.memref_slice %arg6[%dma_wait3A_888, %dma_wait3A_889, %dma_wait3A_890] : memref<2x2x26624xf32, #tpu.memory_space<vmem>> -> memref<1x2x26624xf32, #tpu.memory_space<vmem>>
    %dma_wait3A_892 = tpu.memref_squeeze %dma_wait3A_891 : memref<1x2x26624xf32, #tpu.memory_space<vmem>> -> memref<2x26624xf32, #tpu.memory_space<vmem>>
    %dma_wait3A_893 = arith.constant 0 : i32
    %dma_wait3A_894 = tpu.memref_slice %arg4[%add3A_861, %dma_wait3A_893] : memref<1024x26624xf32, #tpu.memory_space<hbm>> -> memref<2x26624xf32, #tpu.memory_space<hbm>>
    %dma_wait3A_895 = arith.constant 0 : i32
    %dma_wait3A_896 = tpu.memref_slice %arg4[%add3A_861, %dma_wait3A_895] : memref<1024x26624xf32, #tpu.memory_space<hbm>> -> memref<2x26624xf32, #tpu.memory_space<hbm>>
    %dma_wait3A_897 = arith.constant 0 : i32
    %dma_wait3A_898 = arith.constant 0 : i32
    %dma_wait3A_899 = tpu.memref_slice %arg6[%dma_wait3A_888, %dma_wait3A_897, %dma_wait3A_898] : memref<2x2x26624xf32, #tpu.memory_space<vmem>> -> memref<1x2x26624xf32, #tpu.memory_space<vmem>>
    %dma_wait3A_900 = tpu.memref_squeeze %dma_wait3A_899 : memref<1x2x26624xf32, #tpu.memory_space<vmem>> -> memref<2x26624xf32, #tpu.memory_space<vmem>>
    tpu.wait_dma2 semaphore(%arg11 : memref<!tpu.dma_semaphore, #tpu.memory_space<semaphore_mem>>) src(%dma_wait3A_900 : memref<2x26624xf32, #tpu.memory_space<vmem>>) dst(%dma_wait3A_896 : memref<2x26624xf32, #tpu.memory_space<hbm>>)
    %dma_wait3A_901 = arith.constant 0 : i32
    %dma_wait3A_902 = tpu.memref_slice %arg3[%mul3A_2, %dma_wait3A_901] : memref<1024x384xf32, #tpu.memory_space<hbm>> -> memref<32x384xf32, #tpu.memory_space<hbm>>
    %dma_wait3A_903 = arith.constant 0 : i32
    %dma_wait3A_904 = tpu.memref_slice %arg3[%mul3A_2, %dma_wait3A_903] : memref<1024x384xf32, #tpu.memory_space<hbm>> -> memref<32x384xf32, #tpu.memory_space<hbm>>
    tpu.wait_dma2 semaphore(%arg12 : memref<!tpu.dma_semaphore, #tpu.memory_space<semaphore_mem>>) src(%dma_wait3A_904 : memref<32x384xf32, #tpu.memory_space<hbm>>) dst(%arg7 : memref<32x384xf32, #tpu.memory_space<vmem>>)
    %dma_start3A_905 = arith.constant 0 : i32
    %dma_start3A_906 = tpu.memref_slice %arg5[%mul3A_2, %dma_start3A_905] : memref<1024x384xf32, #tpu.memory_space<hbm>> -> memref<32x384xf32, #tpu.memory_space<hbm>>
    %dma_start3A_907 = arith.constant 0 : i32
    %dma_start3A_908 = tpu.memref_slice %arg5[%mul3A_2, %dma_start3A_907] : memref<1024x384xf32, #tpu.memory_space<hbm>> -> memref<32x384xf32, #tpu.memory_space<hbm>>
    tpu.enqueue_dma source(%arg7 : memref<32x384xf32, #tpu.memory_space<vmem>>) target(%dma_start3A_908 : memref<32x384xf32, #tpu.memory_space<hbm>>) target_semaphore(%arg13 : memref<!tpu.dma_semaphore, #tpu.memory_space<semaphore_mem>>)
    %dma_wait3A_909 = arith.constant 0 : i32
    %dma_wait3A_910 = tpu.memref_slice %arg5[%mul3A_2, %dma_wait3A_909] : memref<1024x384xf32, #tpu.memory_space<hbm>> -> memref<32x384xf32, #tpu.memory_space<hbm>>
    %dma_wait3A_911 = arith.constant 0 : i32
    %dma_wait3A_912 = tpu.memref_slice %arg5[%mul3A_2, %dma_wait3A_911] : memref<1024x384xf32, #tpu.memory_space<hbm>> -> memref<32x384xf32, #tpu.memory_space<hbm>>
    tpu.wait_dma2 semaphore(%arg13 : memref<!tpu.dma_semaphore, #tpu.memory_space<semaphore_mem>>) src(%arg7 : memref<32x384xf32, #tpu.memory_space<vmem>>) dst(%dma_wait3A_912 : memref<32x384xf32, #tpu.memory_space<hbm>>)
    return
  }
}

</mosaic_0001>

<sc_bundles>
// kernel: kernel.3.cloned.1.call-start
scs
__scs_entry_jumppad:
0x0: {  	(pc) =	sbr.rel $0x88, $3  }
0x1: {  	(tag) =	ssettag $0x0;
	lr =	simm.s32 $0x1  }
0x2: {  	[smem:$0x3F9F] =	sst lr;
	_ =	strace $0xD0000000  }
0x3: {  	_ = 	snop  }
0x4: {  	_ = 	snop  }
0x5: {  	_ = 	snop  }
0x6: {  	_ = 	snop  }
0x7: {  	_ = 	snop  }
__scs_overlays_trampoline_lowered:
0x8: {  	[smem:$0x3FAE] =	sst s0  }
0x9: {  	[smem:$0x3FAF] =	sst s1  }
0xa: {  	[smem:$0x3FB0] =	sst s2  }
0xb: {  	[smem:$0x3FB1] =	sst s3  }
0xc: {  	[smem:$0x3FB2] =	sst s4  }
0xd: {  	[smem:$0x3FB3] =	sst s5  }
0xe: {  	[smem:$0x3FB4] =	sst s6  }
0xf: {  	[smem:$0x3FB5] =	sst s7  }
0x10: {  	[smem:$0x3FB6] =	sst s8  }
0x11: {  	[smem:$0x3FB7] =	sst s9;
	s0 =	simm.s32 @!p0 $0x0  }
0x12: {  	s1 =	sld [smem:$0x3F9D];
	s0 =	simm.s32 @p0 $0x1  }
0x13: {  	[smem:$0x3FB8] =	sst s0;
	s0 =	simm.s32 @!p1 $0x0  }
0x14: {  	s2 =	sld [smem:$0x3F9C];
	s0 =	simm.s32 @p1 $0x1  }
0x15: {  	[smem:$0x3FB9] =	sst s0;
	s0 =	simm.s32 @!p2 $0x0  }
0x16: {  	s3 =	sld [smem:$0x3FDB];
	s0 =	simm.s32 @p2 $0x1  }
0x17: {  	s4 =	simm.s32 $0x1BF5;
	[smem:$0x3FBB] =	sst s0  }
0x18: {  	s0 =	sld [smem:$0x3F9E];
	_ =	swait.ge [sflag:s4], $0x0  }
0x19: {  	s7 =	sld [smem:$0x3F9F]  }
0x1a: {  	s8 =	sadd.s32 $0xFFFFE003, lr  }
0x1b: {  	s9 =	sadd.s32 $0xFFFFFEF7, lr;
	s5 =	simm.s32 $0xFFFFFFFF;
	p2 =	slt.u32 s8, $0xFFFFF086  }
0x1c: {  	p1 =	slt.u32 s9, $0xF7A;
	s5 =	simm.s32 @!p2 $0x0  }
0x1d: {  	s5 =	simm.s32 @p1 $0x1;
	p0 =	seq.s32 s7, s2  }
0x1e: {  	s7 =	smul.u32 @!p0 $0xF7A, s2;
	p2 =	seq.s32 @!p0 s5, $0x0  }
0x1f: {  	s9 =	smul.u32 $0xF7A, s1;
	s8 =	simm.s32 @!p0 $0x1BF5;
	p2 =	por !p2, p0  }
0x20: {  	[sflag:s8] =	ssyncset.s32 @!p0 $0xFFFFF086;
	s6 =	sadd.s32 @!p0 s3, s7;
	s7 =	simm.s32 @!p0 $0x108  }
0x21: {  	s3 =	sadd.s32 s3, s9;
	s6 =	sadd.s32 @!p0 $0x88, s6;
	s7 =	simm.s32 @p2 $0x1082  }
0x22: {  	[simem:s7], [sflag:s8] =	dma.local @!p0 [hbm:s6], $0xF7A  }
0x23: {  	s9 =	sor.u32 $0xD0000000, s2;
	s6 =	simm.s32 $0x108;
	_ =	swait.ge @!p0 [sflag:s8], $0x0  }
0x24: {  	s3 =	sadd.s32 $0x88, s3;
	s6 =	simm.s32 @!p1 $0x1082;
	[sflag:s4] =	ssyncset.s32 $0xFFFFF086  }
0x25: {  	[simem:s6], [sflag:s4] =	dma.local [hbm:s3], $0xF7A  }
0x26: {  	[smem:$0x3F9F] =	sst s1;
	(tag) =	ssettag s2;
	_ =	strace s9  }
0x27: {  	s1 =	sld [smem:$0x3FAF]  }
0x28: {  	s2 =	sld [smem:$0x3FB0]  }
0x29: {  	s4 =	sld [smem:$0x3FB2]  }
0x2a: {  	p0 =	seq.s32 s5, $0x0;
	s5 =	sld [smem:$0x3FB3]  }
0x2b: {  	s6 =	sld [smem:$0x3FB4]  }
0x2c: {  	s7 =	sld [smem:$0x3FB5]  }
0x2d: {  	s3 =	simm.s32 $0x108;
	s8 =	sld [smem:$0x3FB6]  }
0x2e: {  	s3 =	simm.s32 @!p0 $0x1082;
	s9 =	sld [smem:$0x3FB7]  }
0x2f: {  	lr =	sadd.s32 s0, s3;
	s0 =	sld [smem:$0x3FAE]  }
0x30: {  	s3 =	sld [smem:$0x3FB1]  }
0x31: {  	[smem:$0x3FBA] =	sst s10  }
0x32: {  	s10 =	sld [smem:$0x3FB8];
	_ =	sdelay $0x3  }
0x33: {  	p0 =	seq.s32 s10, $0x1;
	s10 =	sld [smem:$0x3FBA];
	_ =	sdelay $0x3  }
0x34: {  	[smem:$0x3FBA] =	sst s10  }
0x35: {  	s10 =	sld [smem:$0x3FB9];
	_ =	sdelay $0x3  }
0x36: {  	p1 =	seq.s32 s10, $0x1;
	s10 =	sld [smem:$0x3FBA];
	_ =	sdelay $0x3  }
0x37: {  	[smem:$0x3FBA] =	sst s10  }
0x38: {  	s10 =	sld [smem:$0x3FBB]  }
0x39: {  	_ = 	snop;
	(pc) =	sbr.ind lr, $3  }
0x3a: {  	_ = 	snop  }
0x3b: {  	_ = 	snop  }
0x3c: {  	p2 =	seq.s32 s10, $0x1;
	s10 =	sld [smem:$0x3FBA]  }
0x3d: {  	_ =	shalt  }
0x3e: {  	_ =	shalt  }
0x3f: {  	_ =	shalt  }
0x40: {  	_ =	shalt  }
0x41: {  	_ =	shalt  }
0x42: {  	_ =	shalt  }
0x43: {  	_ =	shalt  }
0x44: {  	_ =	shalt  }
0x45: {  	_ =	shalt  }
0x46: {  	_ =	shalt  }
0x47: {  	_ =	shalt  }
0x48: {  	_ =	shalt  }
0x49: {  	_ =	shalt  }
0x4a: {  	_ =	shalt  }
0x4b: {  	_ =	shalt  }
0x4c: {  	_ =	shalt  }
0x4d: {  	_ =	shalt  }
0x4e: {  	_ =	shalt  }
0x4f: {  	_ =	shalt  }
0x50: {  	_ =	shalt  }
0x51: {  	_ =	shalt  }
0x52: {  	_ =	shalt  }
0x53: {  	_ =	shalt  }
0x54: {  	_ =	shalt  }
0x55: {  	_ =	shalt  }
0x56: {  	_ =	shalt  }
0x57: {  	_ =	shalt  }
0x58: {  	_ =	shalt  }
0x59: {  	_ =	shalt  }
0x5a: {  	_ =	shalt  }
0x5b: {  	_ =	shalt  }
0x5c: {  	_ =	shalt  }
0x5d: {  	_ =	shalt  }
0x5e: {  	_ =	shalt  }
0x5f: {  	_ =	shalt  }
0x60: {  	_ =	shalt  }
0x61: {  	_ =	shalt  }
0x62: {  	_ =	shalt  }
0x63: {  	_ =	shalt  }
0x64: {  	_ =	shalt  }
0x65: {  	_ =	shalt  }
0x66: {  	_ =	shalt  }
0x67: {  	_ =	shalt  }
0x68: {  	_ =	shalt  }
0x69: {  	_ =	shalt  }
0x6a: {  	_ =	shalt  }
0x6b: {  	_ =	shalt  }
0x6c: {  	_ =	shalt  }
0x6d: {  	_ =	shalt  }
0x6e: {  	_ =	shalt  }
0x6f: {  	_ =	shalt  }
0x70: {  	_ =	shalt  }
0x71: {  	_ =	shalt  }
0x72: {  	_ =	shalt  }
0x73: {  	_ =	shalt  }
0x74: {  	_ =	shalt  }
0x75: {  	_ =	shalt  }
0x76: {  	_ =	shalt  }
0x77: {  	_ =	shalt  }
0x78: {  	_ =	shalt  }
0x79: {  	_ =	shalt  }
0x7a: {  	_ =	shalt  }
0x7b: {  	_ =	shalt  }
0x7c: {  	_ =	shalt  }
0x7d: {  	_ =	shalt  }
0x7e: {  	_ =	shalt  }
0x7f: {  	_ =	shalt  }
0x80: {  	_ =	shalt  }
0x81: {  	_ =	shalt  }
0x82: {  	_ =	shalt  }
0x83: {  	_ =	shalt  }
0x84: {  	_ =	shalt  }
0x85: {  	_ =	shalt  }
0x86: {  	_ =	shalt  }
0x87: {  	_ =	shalt  }
.Lfunc_end0:
.L_simem_size_0:
called_computation_lowered:
.L_overlay_start_0:
0x88: {  	s2 =	sld [smem:$0x3FD9]  }
0x89: {  	s3 =	sld [smem:$0x3FFE];
	_ =	sdelay $0x1  }
0x8a: {  	s1 =	srdreg.scid  }
0x8b: {  	s0 =	sand.u32 $0x1, s1  }
0x8c: {  	s14 =	sshll.u32 s0, $0xA;
	s2 =	sadd.s32 s3, s2  }
0x8d: {  	s2 =	sadd.s32 s2, s14  }
0x8e: {  	[smem:$0x3FC6] =	sst s2  }
0x8f: {  	_ = 	snop  }
0x90: {  	s2 =	sld [smem:$0x3FD0];
	_ =	sdelay $0x2  }
0x91: {  	s15 =	simm.s32 $0xA;
	s4 =	simm.s32 $0x10  }
0x92: {  	[smem:s4], [sflag:s15] =	dma.local [hbm:s2], $0x1  }
0x93: {  	_ =	swait.eq [sflag:s15], $0x1  }
0x94: {  	[sflag:s15] =	ssyncset.done $0x0  }
0x95: {  	s16 =	sld [smem:$0x10];
	[sflag:s15] =	ssyncadd.s32 $0xFFFFFFFF  }
0x96: {  	s17 =	sld [smem:$0x11];
	(tm) =	ssettm $0x1  }
0x97: {  	s18 =	sld [smem:$0x3FFB];
	_ =	sdelay $0x3  }
0x98: {  	_ =	strace s18  }
0x99: {  	s4 =	sld [smem:$0x3FFC];
	_ =	sdelay $0x3  }
0x9a: {  	_ =	strace s4  }
0x9b: {  	s4 =	sld [smem:$0x3FFD];
	_ =	sdelay $0x3  }
0x9c: {  	_ =	strace s4  }
0x9d: {  	_ =	strace $0x8FFFFFFF  }
0x9e: {  	s19 =	sld [smem:$0x3FDB];
	_ =	sdelay $0x1  }
0x9f: {  	s5 =	simm.s32 $_scs_section_size  }
0xa0: {  	s6 =	simm.s32 $_size__tile_overlayer_lowered;
	s7 =	simm.s32 $_tile_overlayer_lowered  }
0xa1: {  	s22 =	simm.s32 $0x1BFF;
	s21 =	sshll.u32 s7, $0x1;
	s4 =	sadd.s32 s5, s19  }
0xa2: {  	s8 =	simm.s32 $0x0;
	s20 =	sshll.u32 s6, $0x1;
	s6 =	sadd.s32 s21, s4  }
0xa3: {  	[timem:s8], [sflag:s22] =	dma.local [hbm:s6], s20  }
0xa4: {  	_ =	swait.ge [sflag:s22], s20  }
0xa5: {  	s5 =	ssub.s32 $0x0, s20;
	[sflag:s22] =	ssyncset.done $0x0  }
0xa6: {  	[sflag:s22] =	ssyncadd.s32 s5;
	_ =	sdelay $0x1  }
0xa7: {  	s23 =	simm.s32 $0x1B8B  }
0xa8: {  	_ =	swait.ge [sflag:s23], $0x1  }
0xa9: {  	[sflag:s23] =	ssyncset.done $0x0  }
0xaa: {  	s25 =	simm.s32 $0x1B8E;
	s24 =	sld [smem:$0x3FFE];
	[sflag:s23] =	ssyncadd.s32 $0xFFFFFFFF  }
0xab: {  	s26 =	simm.s32 $execute0_lowered;
	[smem:$0x3FD2] =	sst s25  }
0xac: {  	s6 =	sshll.u32 s26, $0x1;
	_ =	strace $0x80000046;
	[dreg:$0x1] =	wrdreg $0xFFFFFFFF  }
0xad: {  	s28 =	simm.s32 $_size_execute0_lowered;
	s4 =	sadd.s32 s4, s6;
	[dreg:$0x0] =	wrdreg $0x0  }
0xae: {  	s6 =	sshll.u32 s28, $0x1;
	[dreg:$0x2] =	wrdreg s4  }
0xaf: {  	[dreg:$0x3] =	wrdreg s6  }
0xb0: {  	[dreg:$0x4] =	wrdreg $0xC0  }
0xb1: {  	_ =	task [dreg:s8], $0x5FFFF  }
0xb2: {  	[dreg:$0x1] =	wrdreg $0xFFFFFFFF  }
0xb3: {  	[dreg:$0x0] =	wrdreg $0x60  }
0xb4: {  	[dreg:$0x2] =	wrdreg s17  }
0xb5: {  	[dreg:$0x3] =	wrdreg s16  }
0xb6: {  	[dreg:$0x4] =	wrdreg s24  }
0xb7: {  	[dreg:$0x5] =	wrdreg $0x9  }
0xb8: {  	_ =	task.clear_ibuf [dreg:s8], $0x6FFFF;
	_ =	strace $0x90000046  }
0xb9: {  	s29 =	simm.s32 $0x9;
	_ =	strace $0x80000048  }
0xba: {  	_ =	swait.ge [sflag:s29], $0x1  }
0xbb: {  	[sflag:s29] =	ssyncadd.s32 $0xFFFFFFFF  }
0xbc: {  	_ =	strace $0x90000048  }
0xbd: {  	_ =	sfence  }
0xbe: {  	s30 =	sld [smem:$0x0];
	_ =	sdelay $0x2  }
0xbf: {  	s31 =	sshll.u32 s1, $0xD;
	s1 =	sshrl.u32 s1, $0x2  }
0xc0: {  	s3 =	sand.u32 $0x4000, s31;
	s1 =	sadd.s32 s1, s30  }
0xc1: {  	s0 =	sor.u32 s3, s0;
	s1 =	sshll.u32 s1, $0x11  }
0xc2: {  	s0 =	sor.u32 s1, s0  }
0xc3: {  	s0 =	sadd.s32 $0x8F2B, s0  }
0xc4: {  	[sflag:s0] =	ssyncadd.remote.s32 $0x1  }
0xc5: {  	_ =	sfence.sel $0xFFFF  }
0xc6: {  	[dreg:$0x0] =	wrdreg $0xFFFFFFFF;
	(pc) =	sbr.abs _section_cstart, $3  }
0xc7: {  	[dreg:$0x1] =	wrdreg $0xFFFFFFFF  }
0xc8: {  	_ =	task.clear_ibuf [dreg:s8], $0x2FFFF;
	_ =	strace $0x9FFFFFFF  }
0xc9: {  	(tm) =	ssettm $0x7FFFFFFF  }
tec
execute0_lowered:
.L_overlay_start_1:
0x0: {  	(tag) =	ssettag $0x1  }
0x1: {  	s0 =	srdreg.scid  }
0x2: {  	s1 =	rddreg [dreg:$0x0];
	s2 =	stileid.u32;
	s0 =	sand.u32 $0x1, s0  }
0x3: {  	s3 =	rddreg [dreg:$0x1];
	s2 =	sshll.u32 s2, $0x3;
	s4 =	sshll.u32 s0, $0x2  }
0x4: {  	s5 =	rddreg [dreg:$0x2];
	s4 =	sor.u32 s4, s2  }
0x5: {  	p0 =	por $0x0, $0x0;
	s2 =	simm.s32 $0x0;
	s6 =	smul.u32 $0x180, s4  }
0x6: {  	s0 =	ssub.s32 $0x2, s0;
	[smem:$0x7FF] =	sst s2;
	s7 =	smul.u32 $0x6800, s4  }
0x7: {  	s4 =	smul.u32 $0x34000, s4;
	_ =	strace $0x80000047;
	s3 =	sadd.s32 s3, s6  }
0x8: {  	s8 =	sadd.s32 s1, s7;
	s9 =	sor.u32 $0x20, s7;
	s10 =	sor.u32 $0x40, s7  }
0x9: {  	s4 =	sshrl.u32 s4, $0x3;
	s6 =	sadd.s32 s6, s5;
	[dreg:$0x4] =	wrdreg s3  }
0xa: {  	s3 =	sadd.s32 $0xC600, s5;
	[dreg:$0x5] =	wrdreg s8;
	s12 =	sadd.s32 s1, s9  }
0xb: {  	s14 =	sadd.s32 s1, s10;
	s18 =	sadd.s32 $0x6800, s4;
	s20 =	sadd.s32 $0x6820, s4  }
0xc: {  	s23 =	sadd.s32 $0x6840, s4;
	s26 =	sadd.s32 $0x6860, s4;
	[dreg:$0x6] =	wrdreg s12  }
0xd: {  	s8 =	simm.s32 $0x100;
	s13 =	sadd.s32 s3, s7;
	[dreg:$0x8] =	wrdreg s14  }
0xe: {  	s15 =	sadd.s32 s3, s9;
	s7 =	sor.u32 $0x60, s7;
	[dreg:$0x7] =	wrdreg s13  }
0xf: {  	s17 =	sadd.s32 s3, s10;
	s19 =	sadd.s32 s1, s18;
	[dreg:$0x9] =	wrdreg s15  }
0x10: {  	s21 =	sadd.s32 s1, s20;
	s22 =	sadd.s32 s3, s18;
	[dreg:$0xb] =	wrdreg s17  }
0x11: {  	s24 =	sadd.s32 s1, s23;
	s25 =	sadd.s32 s3, s20;
	[dreg:$0xc] =	wrdreg s19  }
0x12: {  	s10 =	sshrl.u32 s0, $0x1;
	s11 =	sadd.s32 s1, s26;
	[dreg:$0xe] =	wrdreg s21  }
0x13: {  	s12 =	sadd.s32 s3, s23;
	s14 =	sadd.s32 $0xD020, s4;
	[dreg:$0xf] =	wrdreg s22  }
0x14: {  	s30 =	sadd.s32 s3, s26;
	s18 =	sadd.s32 $0x13820, s4;
	[dreg:$0x10] =	wrdreg s24  }
0x15: {  	s9 =	simm.s32 $0x400;
	s16 =	sadd.s32 s1, s7;
	[dreg:$0x11] =	wrdreg s25  }
0x16: {  	s7 =	sadd.s32 s3, s7;
	s0 =	ssub.s32 s0, s10;
	[dreg:$0x12] =	wrdreg s11  }
0x17: {  	[dreg:$0x13] =	wrdreg s12;
	s13 =	sadd.s32 $0xD000, s4;
	s29 =	sadd.s32 s1, s14  }
0x18: {  	s15 =	sadd.s32 $0xD040, s4;
	s25 =	sadd.s32 s3, s14;
	s17 =	sadd.s32 $0x13800, s4  }
0x19: {  	s20 =	sadd.s32 s1, s18;
	s19 =	sadd.s32 $0x13840, s4;
	s12 =	simm.s32 $0xD000  }
0x1a: {  	s14 =	simm.s32 $0x3;
	s10 =	simm.s32 $0x5;
	[dreg:$0xa] =	wrdreg s16  }
0x1b: {  	[dreg:$0xd] =	wrdreg s7;
	s31 =	sadd.s32 s1, s13;
	s28 =	sadd.s32 s3, s13  }
0x1c: {  	s16 =	sadd.s32 $0xD060, s4;
	s26 =	sadd.s32 s1, s15;
	s23 =	sadd.s32 s3, s15  }
0x1d: {  	s22 =	sadd.s32 s1, s17;
	s17 =	sadd.s32 s3, s17;
	s0 =	smax.u32 s0, $0x1  }
0x1e: {  	s4 =	sadd.s32 $0x13860, s4;
	s15 =	sadd.s32 s3, s18;
	p1 =	sne.s32 s0, $0x1  }
.Ltmp0:
0x1f: {  	s7 =	sadd.s32 s3, s19;
	s18 =	simm.s32 $0x2;
	(pc) =	sbr.rel @!p1 .LBB2_3-.Ltmp0, $4  }
0x20: {  	s13 =	simm.s32 $0x4;
	s24 =	sadd.s32 s1, s16;
	s21 =	sadd.s32 s3, s16  }
0x21: {  	s16 =	sadd.s32 s1, s19;
	s11 =	sadd.s32 s1, s4;
	s5 =	sadd.s32 s3, s4  }
0x22: {  	s3 =	sadd.s32 $0x600, s6;
	s4 =	simm.s32 $0x1A000;
	s1 =	sadd.s32 $0xFFFFFFFF, s0  }
0x23: {  	s19 =	simm.s32 $0x1;
	s6 =	simm.s32 $0x6;
	s0 =	rddreg [dreg:$0x4]  }
0x24: {  	[dreg:$0x14] =	wrdreg s1  }
0x25: {  	[tilespmem:s4], [sflag:$0x5] =	stream.linear.gather [hbm4b:s0+s2], $0x3000, $0x38;
	[tilespmem:$0x1D000] =	vst v63  }
0x26: {  	s1 =	rddreg [dreg:$0x5]  }
0x27: {  	[tilespmem:s2], [sflag:$0x1] =	stream.strided.gather [hbm4b:s1+s8], $0xD000, s9, s8, $0x38;
	[tilespmem:$0x1D000] =	vst v63  }
0x28: {  	s0 =	rddreg [dreg:$0x6]  }
0x29: {  	[tilespmem:s12], [sflag:$0x2] =	stream.strided.gather [hbm4b:s0+s8], $0xD000, s9, s8, $0x38;
	[tilespmem:$0x1D000] =	vst v63  }
0x2a: {  	_ =	swait.ge [sflag:s19], $0xD000  }
0x2b: {  	[sflag:s19] =	ssyncset.done $0x0  }
0x2c: {  	s1 =	rddreg [dreg:$0x7];
	[sflag:s19] =	ssyncadd.s32 $0xFFFF3000  }
0x2d: {  	[hbm4b:s1+s8] =	stream.strided.scatter [tilespmem:s2], [sflag:$0x3], $0xD000, s9, s8, $0x38;
	[tilespmem:$0x1D000] =	vst v63  }
0x2e: {  	_ =	swait.ge [sflag:s14], $0xD000  }
0x2f: {  	[sflag:s14] =	ssyncset.done $0x0  }
0x30: {  	s1 =	rddreg [dreg:$0x8];
	[sflag:s14] =	ssyncadd.s32 $0xFFFF3000  }
0x31: {  	[tilespmem:s2], [sflag:$0x1] =	stream.strided.gather [hbm4b:s1+s8], $0xD000, s9, s8, $0x38;
	[tilespmem:$0x1D000] =	vst v63  }
0x32: {  	_ =	swait.ge [sflag:s18], $0xD000  }
0x33: {  	[sflag:s18] =	ssyncset.done $0x0  }
0x34: {  	s1 =	rddreg [dreg:$0x9];
	[sflag:s18] =	ssyncadd.s32 $0xFFFF3000  }
0x35: {  	[hbm4b:s1+s8] =	stream.strided.scatter [tilespmem:s12], [sflag:$0x4], $0xD000, s9, s8, $0x38;
	[tilespmem:$0x1D000] =	vst v63  }
0x36: {  	_ =	swait.ge [sflag:s13], $0xD000  }
0x37: {  	[sflag:s13] =	ssyncset.done $0x0  }
0x38: {  	s1 =	rddreg [dreg:$0xa];
	[sflag:s13] =	ssyncadd.s32 $0xFFFF3000  }
0x39: {  	[tilespmem:s12], [sflag:$0x2] =	stream.strided.gather [hbm4b:s1+s8], $0xD000, s9, s8, $0x38;
	[tilespmem:$0x1D000] =	vst v63  }
0x3a: {  	_ =	swait.ge [sflag:s19], $0xD000  }
0x3b: {  	[sflag:s19] =	ssyncset.done $0x0  }
0x3c: {  	s1 =	rddreg [dreg:$0xb];
	[sflag:s19] =	ssyncadd.s32 $0xFFFF3000  }
0x3d: {  	[hbm4b:s1+s8] =	stream.strided.scatter [tilespmem:s2], [sflag:$0x3], $0xD000, s9, s8, $0x38;
	[tilespmem:$0x1D000] =	vst v63  }
0x3e: {  	_ =	swait.ge [sflag:s14], $0xD000  }
0x3f: {  	[sflag:s14] =	ssyncset.done $0x0  }
0x40: {  	s1 =	rddreg [dreg:$0xc];
	[sflag:s14] =	ssyncadd.s32 $0xFFFF3000  }
0x41: {  	[tilespmem:s2], [sflag:$0x1] =	stream.strided.gather [hbm4b:s1+s8], $0xD000, s9, s8, $0x38;
	[tilespmem:$0x1D000] =	vst v63  }
0x42: {  	_ =	swait.ge [sflag:s18], $0xD000  }
0x43: {  	[sflag:s18] =	ssyncset.done $0x0  }
0x44: {  	s1 =	rddreg [dreg:$0xd];
	[sflag:s18] =	ssyncadd.s32 $0xFFFF3000  }
0x45: {  	[hbm4b:s1+s8] =	stream.strided.scatter [tilespmem:s12], [sflag:$0x4], $0xD000, s9, s8, $0x38;
	[tilespmem:$0x1D000] =	vst v63  }
0x46: {  	_ =	swait.ge [sflag:s13], $0xD000  }
0x47: {  	[sflag:s13] =	ssyncset.done $0x0  }
0x48: {  	s1 =	rddreg [dreg:$0xe];
	[sflag:s13] =	ssyncadd.s32 $0xFFFF3000  }
0x49: {  	[tilespmem:s12], [sflag:$0x2] =	stream.strided.gather [hbm4b:s1+s8], $0xD000, s9, s8, $0x38;
	[tilespmem:$0x1D000] =	vst v63  }
0x4a: {  	_ =	swait.ge [sflag:s19], $0xD000  }
0x4b: {  	[sflag:s19] =	ssyncset.done $0x0  }
0x4c: {  	s1 =	rddreg [dreg:$0xf];
	[sflag:s19] =	ssyncadd.s32 $0xFFFF3000  }
0x4d: {  	[hbm4b:s1+s8] =	stream.strided.scatter [tilespmem:s2], [sflag:$0x3], $0xD000, s9, s8, $0x38;
	[tilespmem:$0x1D000] =	vst v63  }
0x4e: {  	_ =	swait.ge [sflag:s14], $0xD000  }
0x4f: {  	[sflag:s14] =	ssyncset.done $0x0  }
0x50: {  	s1 =	rddreg [dreg:$0x10];
	[sflag:s14] =	ssyncadd.s32 $0xFFFF3000  }
0x51: {  	[tilespmem:s2], [sflag:$0x1] =	stream.strided.gather [hbm4b:s1+s8], $0xD000, s9, s8, $0x38;
	[tilespmem:$0x1D000] =	vst v63  }
0x52: {  	_ =	swait.ge [sflag:s18], $0xD000  }
0x53: {  	[sflag:s18] =	ssyncset.done $0x0  }
0x54: {  	s1 =	rddreg [dreg:$0x11];
	[sflag:s18] =	ssyncadd.s32 $0xFFFF3000  }
0x55: {  	[hbm4b:s1+s8] =	stream.strided.scatter [tilespmem:s12], [sflag:$0x4], $0xD000, s9, s8, $0x38;
	[tilespmem:$0x1D000] =	vst v63  }
0x56: {  	_ =	swait.ge [sflag:s13], $0xD000  }
0x57: {  	[sflag:s13] =	ssyncset.done $0x0  }
0x58: {  	s1 =	rddreg [dreg:$0x12];
	[sflag:s13] =	ssyncadd.s32 $0xFFFF3000  }
0x59: {  	[tilespmem:s12], [sflag:$0x2] =	stream.strided.gather [hbm4b:s1+s8], $0xD000, s9, s8, $0x38;
	[tilespmem:$0x1D000] =	vst v63  }
0x5a: {  	_ =	swait.ge [sflag:s19], $0xD000  }
0x5b: {  	[sflag:s19] =	ssyncset.done $0x0  }
0x5c: {  	s1 =	rddreg [dreg:$0x13];
	[sflag:s19] =	ssyncadd.s32 $0xFFFF3000  }
0x5d: {  	[hbm4b:s1+s8] =	stream.strided.scatter [tilespmem:s2], [sflag:$0x3], $0xD000, s9, s8, $0x38;
	[tilespmem:$0x1D000] =	vst v63  }
0x5e: {  	_ =	swait.ge [sflag:s14], $0xD000  }
0x5f: {  	[sflag:s14] =	ssyncset.done $0x0  }
0x60: {  	[sflag:s14] =	ssyncadd.s32 $0xFFFF3000  }
0x61: {  	[tilespmem:s2], [sflag:$0x1] =	stream.strided.gather [hbm4b:s31+s8], $0xD000, s9, s8, $0x38;
	[tilespmem:$0x1D000] =	vst v63  }
0x62: {  	_ =	swait.ge [sflag:s18], $0xD000  }
0x63: {  	[sflag:s18] =	ssyncset.done $0x0  }
0x64: {  	[sflag:s18] =	ssyncadd.s32 $0xFFFF3000  }
0x65: {  	[hbm4b:s30+s8] =	stream.strided.scatter [tilespmem:s12], [sflag:$0x4], $0xD000, s9, s8, $0x38;
	[tilespmem:$0x1D000] =	vst v63  }
0x66: {  	_ =	swait.ge [sflag:s13], $0xD000  }
0x67: {  	[sflag:s13] =	ssyncset.done $0x0  }
0x68: {  	[sflag:s13] =	ssyncadd.s32 $0xFFFF3000  }
0x69: {  	[tilespmem:s12], [sflag:$0x2] =	stream.strided.gather [hbm4b:s29+s8], $0xD000, s9, s8, $0x38;
	[tilespmem:$0x1D000] =	vst v63  }
0x6a: {  	_ =	swait.ge [sflag:s19], $0xD000  }
0x6b: {  	[sflag:s19] =	ssyncset.done $0x0  }
0x6c: {  	[sflag:s19] =	ssyncadd.s32 $0xFFFF3000  }
0x6d: {  	[hbm4b:s28+s8] =	stream.strided.scatter [tilespmem:s2], [sflag:$0x3], $0xD000, s9, s8, $0x38;
	[tilespmem:$0x1D000] =	vst v63  }
0x6e: {  	_ =	swait.ge [sflag:s14], $0xD000  }
0x6f: {  	[sflag:s14] =	ssyncset.done $0x0  }
0x70: {  	[sflag:s14] =	ssyncadd.s32 $0xFFFF3000  }
0x71: {  	[tilespmem:s2], [sflag:$0x1] =	stream.strided.gather [hbm4b:s26+s8], $0xD000, s9, s8, $0x38;
	[tilespmem:$0x1D000] =	vst v63  }
0x72: {  	_ =	swait.ge [sflag:s18], $0xD000  }
0x73: {  	[sflag:s18] =	ssyncset.done $0x0  }
0x74: {  	[sflag:s18] =	ssyncadd.s32 $0xFFFF3000  }
0x75: {  	[hbm4b:s25+s8] =	stream.strided.scatter [tilespmem:s12], [sflag:$0x4], $0xD000, s9, s8, $0x38;
	[tilespmem:$0x1D000] =	vst v63  }
0x76: {  	_ =	swait.ge [sflag:s13], $0xD000  }
0x77: {  	[sflag:s13] =	ssyncset.done $0x0  }
0x78: {  	[sflag:s13] =	ssyncadd.s32 $0xFFFF3000  }
0x79: {  	[tilespmem:s12], [sflag:$0x2] =	stream.strided.gather [hbm4b:s24+s8], $0xD000, s9, s8, $0x38;
	[tilespmem:$0x1D000] =	vst v63  }
0x7a: {  	_ =	swait.ge [sflag:s19], $0xD000  }
0x7b: {  	[sflag:s19] =	ssyncset.done $0x0  }
0x7c: {  	[sflag:s19] =	ssyncadd.s32 $0xFFFF3000  }
0x7d: {  	[hbm4b:s23+s8] =	stream.strided.scatter [tilespmem:s2], [sflag:$0x3], $0xD000, s9, s8, $0x38;
	[tilespmem:$0x1D000] =	vst v63  }
0x7e: {  	_ =	swait.ge [sflag:s14], $0xD000  }
0x7f: {  	[sflag:s14] =	ssyncset.done $0x0  }
0x80: {  	[sflag:s14] =	ssyncadd.s32 $0xFFFF3000  }
0x81: {  	[tilespmem:s2], [sflag:$0x1] =	stream.strided.gather [hbm4b:s22+s8], $0xD000, s9, s8, $0x38;
	[tilespmem:$0x1D000] =	vst v63  }
0x82: {  	_ =	swait.ge [sflag:s18], $0xD000  }
0x83: {  	[sflag:s18] =	ssyncset.done $0x0  }
0x84: {  	[sflag:s18] =	ssyncadd.s32 $0xFFFF3000  }
0x85: {  	[hbm4b:s21+s8] =	stream.strided.scatter [tilespmem:s12], [sflag:$0x4], $0xD000, s9, s8, $0x38;
	[tilespmem:$0x1D000] =	vst v63  }
0x86: {  	_ =	swait.ge [sflag:s13], $0xD000  }
0x87: {  	[sflag:s13] =	ssyncset.done $0x0  }
0x88: {  	[sflag:s13] =	ssyncadd.s32 $0xFFFF3000  }
0x89: {  	[tilespmem:s12], [sflag:$0x2] =	stream.strided.gather [hbm4b:s20+s8], $0xD000, s9, s8, $0x38;
	[tilespmem:$0x1D000] =	vst v63  }
0x8a: {  	_ =	swait.ge [sflag:s19], $0xD000  }
0x8b: {  	[sflag:s19] =	ssyncset.done $0x0  }
0x8c: {  	[sflag:s19] =	ssyncadd.s32 $0xFFFF3000  }
0x8d: {  	[hbm4b:s17+s8] =	stream.strided.scatter [tilespmem:s2], [sflag:$0x3], $0xD000, s9, s8, $0x38;
	[tilespmem:$0x1D000] =	vst v63  }
0x8e: {  	_ =	swait.ge [sflag:s14], $0xD000  }
0x8f: {  	[sflag:s14] =	ssyncset.done $0x0  }
0x90: {  	[sflag:s14] =	ssyncadd.s32 $0xFFFF3000  }
0x91: {  	[tilespmem:s2], [sflag:$0x1] =	stream.strided.gather [hbm4b:s16+s8], $0xD000, s9, s8, $0x38;
	[tilespmem:$0x1D000] =	vst v63  }
0x92: {  	_ =	swait.ge [sflag:s18], $0xD000  }
0x93: {  	[sflag:s18] =	ssyncset.done $0x0  }
0x94: {  	[sflag:s18] =	ssyncadd.s32 $0xFFFF3000  }
0x95: {  	[hbm4b:s15+s8] =	stream.strided.scatter [tilespmem:s12], [sflag:$0x4], $0xD000, s9, s8, $0x38;
	[tilespmem:$0x1D000] =	vst v63  }
0x96: {  	_ =	swait.ge [sflag:s13], $0xD000  }
0x97: {  	[sflag:s13] =	ssyncset.done $0x0  }
0x98: {  	[sflag:s13] =	ssyncadd.s32 $0xFFFF3000  }
0x99: {  	[tilespmem:s12], [sflag:$0x2] =	stream.strided.gather [hbm4b:s11+s8], $0xD000, s9, s8, $0x38;
	[tilespmem:$0x1D000] =	vst v63  }
0x9a: {  	_ =	swait.ge [sflag:s19], $0xD000  }
0x9b: {  	[sflag:s19] =	ssyncset.done $0x0  }
0x9c: {  	[sflag:s19] =	ssyncadd.s32 $0xFFFF3000  }
0x9d: {  	[hbm4b:s7+s8] =	stream.strided.scatter [tilespmem:s2], [sflag:$0x3], $0xD000, s9, s8, $0x38;
	[tilespmem:$0x1D000] =	vst v63  }
0x9e: {  	_ =	swait.ge [sflag:s18], $0xD000  }
0x9f: {  	[sflag:s18] =	ssyncset.done $0x0  }
0xa0: {  	[sflag:s18] =	ssyncadd.s32 $0xFFFF3000  }
0xa1: {  	[hbm4b:s5+s8] =	stream.strided.scatter [tilespmem:s12], [sflag:$0x4], $0xD000, s9, s8, $0x38;
	[tilespmem:$0x1D000] =	vst v63  }
0xa2: {  	_ =	swait.ge [sflag:s14], $0xD000  }
0xa3: {  	[sflag:s14] =	ssyncset.done $0x0  }
0xa4: {  	[sflag:s14] =	ssyncadd.s32 $0xFFFF3000  }
0xa5: {  	_ =	swait.ge [sflag:s13], $0xD000  }
0xa6: {  	[sflag:s13] =	ssyncset.done $0x0  }
0xa7: {  	[sflag:s13] =	ssyncadd.s32 $0xFFFF3000  }
0xa8: {  	_ =	swait.ge [sflag:s10], $0x3000  }
0xa9: {  	s1 =	rddreg [dreg:$0x14]  }
0xaa: {  	p1 =	sne.s32 s1, $0x1  }
.Ltmp1:
0xab: {  	[sflag:s10] =	ssyncset.done $0x0;
	(pc) =	sbr.rel @!p1 .LBB2_3-.Ltmp1, $4  }
0xac: {  	[sflag:s10] =	ssyncadd.s32 $0xFFFFD000  }
0xad: {  	[hbm4b:s3+s2] =	stream.linear.scatter [tilespmem:s4], [sflag:$0x6], $0x3000, $0x38;
	[tilespmem:$0x1D000] =	vst v63  }
0xae: {  	p0 =	por $0x1, $0x1;
	_ =	swait.ge [sflag:s6], $0x3000  }
0xaf: {  	s1 =	sadd.s32 $0xFFFFFFFF, s1;
	s0 =	rddreg [dreg:$0x4];
	[sflag:s6] =	ssyncset.done $0x0  }
.LBB2_2:
0xb0: {  	[sflag:s6] =	ssyncadd.s32 $0xFFFFD000;
	s6 =	simm.s32 $0x1A000  }
0xb1: {  	[tilespmem:s6], [sflag:$0x5] =	stream.linear.gather [hbm4b:s0+s2], $0x3000, $0x38;
	[tilespmem:$0x1D000] =	vst v63  }
0xb2: {  	s4 =	smov.u32 s3;
	s3 =	rddreg [dreg:$0x5]  }
0xb3: {  	[tilespmem:s2], [sflag:$0x1] =	stream.strided.gather [hbm4b:s3+s8], $0xD000, s9, s8, $0x38;
	[tilespmem:$0x1D000] =	vst v63  }
0xb4: {  	s0 =	rddreg [dreg:$0x6]  }
0xb5: {  	[tilespmem:s12], [sflag:$0x2] =	stream.strided.gather [hbm4b:s0+s8], $0xD000, s9, s8, $0x38;
	[tilespmem:$0x1D000] =	vst v63  }
0xb6: {  	_ =	swait.ge [sflag:s19], $0xD000  }
0xb7: {  	[sflag:s19] =	ssyncset.done $0x0  }
0xb8: {  	s0 =	rddreg [dreg:$0x7];
	[sflag:s19] =	ssyncadd.s32 $0xFFFF3000  }
0xb9: {  	[hbm4b:s0+s8] =	stream.strided.scatter [tilespmem:s2], [sflag:$0x3], $0xD000, s9, s8, $0x38;
	[tilespmem:$0x1D000] =	vst v63  }
0xba: {  	_ =	swait.ge [sflag:s14], $0xD000  }
0xbb: {  	[sflag:s14] =	ssyncset.done $0x0  }
0xbc: {  	s0 =	rddreg [dreg:$0x8];
	[sflag:s14] =	ssyncadd.s32 $0xFFFF3000  }
0xbd: {  	[tilespmem:s2], [sflag:$0x1] =	stream.strided.gather [hbm4b:s0+s8], $0xD000, s9, s8, $0x38;
	[tilespmem:$0x1D000] =	vst v63  }
0xbe: {  	_ =	swait.ge [sflag:s18], $0xD000  }
0xbf: {  	[sflag:s18] =	ssyncset.done $0x0  }
0xc0: {  	s0 =	rddreg [dreg:$0x9];
	[sflag:s18] =	ssyncadd.s32 $0xFFFF3000  }
0xc1: {  	[hbm4b:s0+s8] =	stream.strided.scatter [tilespmem:s12], [sflag:$0x4], $0xD000, s9, s8, $0x38;
	[tilespmem:$0x1D000] =	vst v63  }
0xc2: {  	_ =	swait.ge [sflag:s13], $0xD000  }
0xc3: {  	[sflag:s13] =	ssyncset.done $0x0  }
0xc4: {  	s0 =	rddreg [dreg:$0xa];
	[sflag:s13] =	ssyncadd.s32 $0xFFFF3000  }
0xc5: {  	[tilespmem:s12], [sflag:$0x2] =	stream.strided.gather [hbm4b:s0+s8], $0xD000, s9, s8, $0x38;
	[tilespmem:$0x1D000] =	vst v63  }
0xc6: {  	_ =	swait.ge [sflag:s19], $0xD000  }
0xc7: {  	[sflag:s19] =	ssyncset.done $0x0  }
0xc8: {  	s0 =	rddreg [dreg:$0xb];
	[sflag:s19] =	ssyncadd.s32 $0xFFFF3000  }
0xc9: {  	[hbm4b:s0+s8] =	stream.strided.scatter [tilespmem:s2], [sflag:$0x3], $0xD000, s9, s8, $0x38;
	[tilespmem:$0x1D000] =	vst v63  }
0xca: {  	_ =	swait.ge [sflag:s14], $0xD000  }
0xcb: {  	[sflag:s14] =	ssyncset.done $0x0  }
0xcc: {  	s0 =	rddreg [dreg:$0xc];
	[sflag:s14] =	ssyncadd.s32 $0xFFFF3000  }
0xcd: {  	[tilespmem:s2], [sflag:$0x1] =	stream.strided.gather [hbm4b:s0+s8], $0xD000, s9, s8, $0x38;
	[tilespmem:$0x1D000] =	vst v63  }
0xce: {  	_ =	swait.ge [sflag:s18], $0xD000  }
0xcf: {  	[sflag:s18] =	ssyncset.done $0x0  }
0xd0: {  	s0 =	rddreg [dreg:$0xd];
	[sflag:s18] =	ssyncadd.s32 $0xFFFF3000  }
0xd1: {  	[hbm4b:s0+s8] =	stream.strided.scatter [tilespmem:s12], [sflag:$0x4], $0xD000, s9, s8, $0x38;
	[tilespmem:$0x1D000] =	vst v63  }
0xd2: {  	_ =	swait.ge [sflag:s13], $0xD000  }
0xd3: {  	[sflag:s13] =	ssyncset.done $0x0  }
0xd4: {  	s0 =	rddreg [dreg:$0xe];
	[sflag:s13] =	ssyncadd.s32 $0xFFFF3000  }
0xd5: {  	[tilespmem:s12], [sflag:$0x2] =	stream.strided.gather [hbm4b:s0+s8], $0xD000, s9, s8, $0x38;
	[tilespmem:$0x1D000] =	vst v63  }
0xd6: {  	_ =	swait.ge [sflag:s19], $0xD000  }
0xd7: {  	[sflag:s19] =	ssyncset.done $0x0  }
0xd8: {  	s0 =	rddreg [dreg:$0xf];
	[sflag:s19] =	ssyncadd.s32 $0xFFFF3000  }
0xd9: {  	[hbm4b:s0+s8] =	stream.strided.scatter [tilespmem:s2], [sflag:$0x3], $0xD000, s9, s8, $0x38;
	[tilespmem:$0x1D000] =	vst v63  }
0xda: {  	_ =	swait.ge [sflag:s14], $0xD000  }
0xdb: {  	[sflag:s14] =	ssyncset.done $0x0  }
0xdc: {  	s0 =	rddreg [dreg:$0x10];
	[sflag:s14] =	ssyncadd.s32 $0xFFFF3000  }
0xdd: {  	[tilespmem:s2], [sflag:$0x1] =	stream.strided.gather [hbm4b:s0+s8], $0xD000, s9, s8, $0x38;
	[tilespmem:$0x1D000] =	vst v63  }
0xde: {  	_ =	swait.ge [sflag:s18], $0xD000  }
0xdf: {  	[sflag:s18] =	ssyncset.done $0x0  }
0xe0: {  	s0 =	rddreg [dreg:$0x11];
	[sflag:s18] =	ssyncadd.s32 $0xFFFF3000  }
0xe1: {  	[hbm4b:s0+s8] =	stream.strided.scatter [tilespmem:s12], [sflag:$0x4], $0xD000, s9, s8, $0x38;
	[tilespmem:$0x1D000] =	vst v63  }
0xe2: {  	_ =	swait.ge [sflag:s13], $0xD000  }
0xe3: {  	[sflag:s13] =	ssyncset.done $0x0  }
0xe4: {  	s0 =	rddreg [dreg:$0x12];
	[sflag:s13] =	ssyncadd.s32 $0xFFFF3000  }
0xe5: {  	[tilespmem:s12], [sflag:$0x2] =	stream.strided.gather [hbm4b:s0+s8], $0xD000, s9, s8, $0x38;
	[tilespmem:$0x1D000] =	vst v63  }
0xe6: {  	_ =	swait.ge [sflag:s19], $0xD000  }
0xe7: {  	[sflag:s19] =	ssyncset.done $0x0  }
0xe8: {  	s0 =	rddreg [dreg:$0x13];
	[sflag:s19] =	ssyncadd.s32 $0xFFFF3000  }
0xe9: {  	[hbm4b:s0+s8] =	stream.strided.scatter [tilespmem:s2], [sflag:$0x3], $0xD000, s9, s8, $0x38;
	[tilespmem:$0x1D000] =	vst v63  }
0xea: {  	_ =	swait.ge [sflag:s14], $0xD000  }
0xeb: {  	[sflag:s14] =	ssyncset.done $0x0  }
0xec: {  	[sflag:s14] =	ssyncadd.s32 $0xFFFF3000  }
0xed: {  	[tilespmem:s2], [sflag:$0x1] =	stream.strided.gather [hbm4b:s31+s8], $0xD000, s9, s8, $0x38;
	[tilespmem:$0x1D000] =	vst v63  }
0xee: {  	_ =	swait.ge [sflag:s18], $0xD000  }
0xef: {  	[sflag:s18] =	ssyncset.done $0x0  }
0xf0: {  	[sflag:s18] =	ssyncadd.s32 $0xFFFF3000  }
0xf1: {  	[hbm4b:s30+s8] =	stream.strided.scatter [tilespmem:s12], [sflag:$0x4], $0xD000, s9, s8, $0x38;
	[tilespmem:$0x1D000] =	vst v63  }
0xf2: {  	_ =	swait.ge [sflag:s13], $0xD000  }
0xf3: {  	[sflag:s13] =	ssyncset.done $0x0  }
0xf4: {  	[sflag:s13] =	ssyncadd.s32 $0xFFFF3000  }
0xf5: {  	[tilespmem:s12], [sflag:$0x2] =	stream.strided.gather [hbm4b:s29+s8], $0xD000, s9, s8, $0x38;
	[tilespmem:$0x1D000] =	vst v63  }
0xf6: {  	_ =	swait.ge [sflag:s19], $0xD000  }
0xf7: {  	[sflag:s19] =	ssyncset.done $0x0  }
0xf8: {  	[sflag:s19] =	ssyncadd.s32 $0xFFFF3000  }
0xf9: {  	[hbm4b:s28+s8] =	stream.strided.scatter [tilespmem:s2], [sflag:$0x3], $0xD000, s9, s8, $0x38;
	[tilespmem:$0x1D000] =	vst v63  }
0xfa: {  	_ =	swait.ge [sflag:s14], $0xD000  }
0xfb: {  	[sflag:s14] =	ssyncset.done $0x0  }
0xfc: {  	[sflag:s14] =	ssyncadd.s32 $0xFFFF3000  }
0xfd: {  	[tilespmem:s2], [sflag:$0x1] =	stream.strided.gather [hbm4b:s26+s8], $0xD000, s9, s8, $0x38;
	[tilespmem:$0x1D000] =	vst v63  }
0xfe: {  	_ =	swait.ge [sflag:s18], $0xD000  }
0xff: {  	[sflag:s18] =	ssyncset.done $0x0  }
0x100: {  	[sflag:s18] =	ssyncadd.s32 $0xFFFF3000  }
0x101: {  	[hbm4b:s25+s8] =	stream.strided.scatter [tilespmem:s12], [sflag:$0x4], $0xD000, s9, s8, $0x38;
	[tilespmem:$0x1D000] =	vst v63  }
0x102: {  	_ =	swait.ge [sflag:s13], $0xD000  }
0x103: {  	[sflag:s13] =	ssyncset.done $0x0  }
0x104: {  	[sflag:s13] =	ssyncadd.s32 $0xFFFF3000  }
0x105: {  	[tilespmem:s12], [sflag:$0x2] =	stream.strided.gather [hbm4b:s24+s8], $0xD000, s9, s8, $0x38;
	[tilespmem:$0x1D000] =	vst v63  }
0x106: {  	_ =	swait.ge [sflag:s19], $0xD000  }
0x107: {  	[sflag:s19] =	ssyncset.done $0x0  }
0x108: {  	[sflag:s19] =	ssyncadd.s32 $0xFFFF3000  }
0x109: {  	[hbm4b:s23+s8] =	stream.strided.scatter [tilespmem:s2], [sflag:$0x3], $0xD000, s9, s8, $0x38;
	[tilespmem:$0x1D000] =	vst v63  }
0x10a: {  	_ =	swait.ge [sflag:s14], $0xD000  }
0x10b: {  	[sflag:s14] =	ssyncset.done $0x0  }
0x10c: {  	[sflag:s14] =	ssyncadd.s32 $0xFFFF3000  }
0x10d: {  	[tilespmem:s2], [sflag:$0x1] =	stream.strided.gather [hbm4b:s22+s8], $0xD000, s9, s8, $0x38;
	[tilespmem:$0x1D000] =	vst v63  }
0x10e: {  	_ =	swait.ge [sflag:s18], $0xD000  }
0x10f: {  	[sflag:s18] =	ssyncset.done $0x0  }
0x110: {  	[sflag:s18] =	ssyncadd.s32 $0xFFFF3000  }
0x111: {  	[hbm4b:s21+s8] =	stream.strided.scatter [tilespmem:s12], [sflag:$0x4], $0xD000, s9, s8, $0x38;
	[tilespmem:$0x1D000] =	vst v63  }
0x112: {  	_ =	swait.ge [sflag:s13], $0xD000  }
0x113: {  	[sflag:s13] =	ssyncset.done $0x0  }
0x114: {  	[sflag:s13] =	ssyncadd.s32 $0xFFFF3000  }
0x115: {  	[tilespmem:s12], [sflag:$0x2] =	stream.strided.gather [hbm4b:s20+s8], $0xD000, s9, s8, $0x38;
	[tilespmem:$0x1D000] =	vst v63  }
0x116: {  	_ =	swait.ge [sflag:s19], $0xD000  }
0x117: {  	[sflag:s19] =	ssyncset.done $0x0  }
0x118: {  	[sflag:s19] =	ssyncadd.s32 $0xFFFF3000  }
0x119: {  	[hbm4b:s17+s8] =	stream.strided.scatter [tilespmem:s2], [sflag:$0x3], $0xD000, s9, s8, $0x38;
	[tilespmem:$0x1D000] =	vst v63  }
0x11a: {  	_ =	swait.ge [sflag:s14], $0xD000  }
0x11b: {  	[sflag:s14] =	ssyncset.done $0x0  }
0x11c: {  	[sflag:s14] =	ssyncadd.s32 $0xFFFF3000  }
0x11d: {  	[tilespmem:s2], [sflag:$0x1] =	stream.strided.gather [hbm4b:s16+s8], $0xD000, s9, s8, $0x38;
	[tilespmem:$0x1D000] =	vst v63  }
0x11e: {  	_ =	swait.ge [sflag:s18], $0xD000  }
0x11f: {  	[sflag:s18] =	ssyncset.done $0x0  }
0x120: {  	[sflag:s18] =	ssyncadd.s32 $0xFFFF3000  }
0x121: {  	[hbm4b:s15+s8] =	stream.strided.scatter [tilespmem:s12], [sflag:$0x4], $0xD000, s9, s8, $0x38;
	[tilespmem:$0x1D000] =	vst v63  }
0x122: {  	_ =	swait.ge [sflag:s13], $0xD000  }
0x123: {  	[sflag:s13] =	ssyncset.done $0x0  }
0x124: {  	[sflag:s13] =	ssyncadd.s32 $0xFFFF3000  }
0x125: {  	[tilespmem:s12], [sflag:$0x2] =	stream.strided.gather [hbm4b:s11+s8], $0xD000, s9, s8, $0x38;
	[tilespmem:$0x1D000] =	vst v63  }
0x126: {  	_ =	swait.ge [sflag:s19], $0xD000  }
0x127: {  	[sflag:s19] =	ssyncset.done $0x0  }
0x128: {  	[sflag:s19] =	ssyncadd.s32 $0xFFFF3000  }
0x129: {  	[hbm4b:s7+s8] =	stream.strided.scatter [tilespmem:s2], [sflag:$0x3], $0xD000, s9, s8, $0x38;
	[tilespmem:$0x1D000] =	vst v63  }
0x12a: {  	_ =	swait.ge [sflag:s18], $0xD000  }
0x12b: {  	[sflag:s18] =	ssyncset.done $0x0  }
0x12c: {  	[sflag:s18] =	ssyncadd.s32 $0xFFFF3000  }
0x12d: {  	[hbm4b:s5+s8] =	stream.strided.scatter [tilespmem:s12], [sflag:$0x4], $0xD000, s9, s8, $0x38;
	[tilespmem:$0x1D000] =	vst v63  }
0x12e: {  	_ =	swait.ge [sflag:s14], $0xD000  }
0x12f: {  	[sflag:s14] =	ssyncset.done $0x0  }
0x130: {  	[sflag:s14] =	ssyncadd.s32 $0xFFFF3000  }
0x131: {  	_ =	swait.ge [sflag:s13], $0xD000  }
0x132: {  	[sflag:s13] =	ssyncset.done $0x0  }
0x133: {  	[sflag:s13] =	ssyncadd.s32 $0xFFFF3000  }
0x134: {  	p1 =	sne.s32 s1, $0x1;
	_ =	swait.ge [sflag:s10], $0x3000  }
.Ltmp2:
0x135: {  	s6 =	simm.s32 $0x6;
	[sflag:s10] =	ssyncset.done $0x0;
	(pc) =	sbr.rel @p1 .LBB2_2-.Ltmp2, $4  }
0x136: {  	s3 =	smov.u32 s4;
	s4 =	simm.s32 $0x1A000;
	[sflag:s10] =	ssyncadd.s32 $0xFFFFD000  }
0x137: {  	[hbm4b:s3+s2] =	stream.linear.scatter [tilespmem:s4], [sflag:$0x6], $0x3000, $0x38;
	[tilespmem:$0x1D000] =	vst v63  }
0x138: {  	_ =	swait.ge [sflag:s6], $0x3000  }
0x139: {  	s1 =	sadd.s32 $0xFFFFFFFF, s1;
	s0 =	rddreg [dreg:$0x4];
	[sflag:s6] =	ssyncset.done $0x0  }
.LBB2_3:
0x13a: {  	[sflag:s6] =	ssyncadd.s32 @p0 $0xFFFFD000  }
0x13b: {  	[tilespmem:s4], [sflag:$0x5] =	stream.linear.gather [hbm4b:s0+s2], $0x3000, $0x38;
	[tilespmem:$0x1D000] =	vst v63  }
0x13c: {  	s1 =	rddreg [dreg:$0x5]  }
0x13d: {  	[tilespmem:s2], [sflag:$0x1] =	stream.strided.gather [hbm4b:s1+s8], $0xD000, s9, s8, $0x38;
	[tilespmem:$0x1D000] =	vst v63  }
0x13e: {  	s0 =	rddreg [dreg:$0x6]  }
0x13f: {  	[tilespmem:s12], [sflag:$0x2] =	stream.strided.gather [hbm4b:s0+s8], $0xD000, s9, s8, $0x38;
	[tilespmem:$0x1D000] =	vst v63  }
0x140: {  	_ =	swait.ge [sflag:s19], $0xD000  }
0x141: {  	[sflag:s19] =	ssyncset.done $0x0  }
0x142: {  	s1 =	rddreg [dreg:$0x7];
	[sflag:s19] =	ssyncadd.s32 $0xFFFF3000  }
0x143: {  	[hbm4b:s1+s8] =	stream.strided.scatter [tilespmem:s2], [sflag:$0x3], $0xD000, s9, s8, $0x38;
	[tilespmem:$0x1D000] =	vst v63  }
0x144: {  	_ =	swait.ge [sflag:s14], $0xD000  }
0x145: {  	[sflag:s14] =	ssyncset.done $0x0  }
0x146: {  	s1 =	rddreg [dreg:$0x8];
	[sflag:s14] =	ssyncadd.s32 $0xFFFF3000  }
0x147: {  	[tilespmem:s2], [sflag:$0x1] =	stream.strided.gather [hbm4b:s1+s8], $0xD000, s9, s8, $0x38;
	[tilespmem:$0x1D000] =	vst v63  }
0x148: {  	_ =	swait.ge [sflag:s18], $0xD000  }
0x149: {  	[sflag:s18] =	ssyncset.done $0x0  }
0x14a: {  	s1 =	rddreg [dreg:$0x9];
	[sflag:s18] =	ssyncadd.s32 $0xFFFF3000  }
0x14b: {  	[hbm4b:s1+s8] =	stream.strided.scatter [tilespmem:s12], [sflag:$0x4], $0xD000, s9, s8, $0x38;
	[tilespmem:$0x1D000] =	vst v63  }
0x14c: {  	_ =	swait.ge [sflag:s13], $0xD000  }
0x14d: {  	[sflag:s13] =	ssyncset.done $0x0  }
0x14e: {  	s1 =	rddreg [dreg:$0xa];
	[sflag:s13] =	ssyncadd.s32 $0xFFFF3000  }
0x14f: {  	[tilespmem:s12], [sflag:$0x2] =	stream.strided.gather [hbm4b:s1+s8], $0xD000, s9, s8, $0x38;
	[tilespmem:$0x1D000] =	vst v63  }
0x150: {  	_ =	swait.ge [sflag:s19], $0xD000  }
0x151: {  	[sflag:s19] =	ssyncset.done $0x0  }
0x152: {  	s1 =	rddreg [dreg:$0xb];
	[sflag:s19] =	ssyncadd.s32 $0xFFFF3000  }
0x153: {  	[hbm4b:s1+s8] =	stream.strided.scatter [tilespmem:s2], [sflag:$0x3], $0xD000, s9, s8, $0x38;
	[tilespmem:$0x1D000] =	vst v63  }
0x154: {  	_ =	swait.ge [sflag:s14], $0xD000  }
0x155: {  	[sflag:s14] =	ssyncset.done $0x0  }
0x156: {  	s1 =	rddreg [dreg:$0xc];
	[sflag:s14] =	ssyncadd.s32 $0xFFFF3000  }
0x157: {  	[tilespmem:s2], [sflag:$0x1] =	stream.strided.gather [hbm4b:s1+s8], $0xD000, s9, s8, $0x38;
	[tilespmem:$0x1D000] =	vst v63  }
0x158: {  	_ =	swait.ge [sflag:s18], $0xD000  }
0x159: {  	[sflag:s18] =	ssyncset.done $0x0  }
0x15a: {  	s1 =	rddreg [dreg:$0xd];
	[sflag:s18] =	ssyncadd.s32 $0xFFFF3000  }
0x15b: {  	[hbm4b:s1+s8] =	stream.strided.scatter [tilespmem:s12], [sflag:$0x4], $0xD000, s9, s8, $0x38;
	[tilespmem:$0x1D000] =	vst v63  }
0x15c: {  	_ =	swait.ge [sflag:s13], $0xD000  }
0x15d: {  	[sflag:s13] =	ssyncset.done $0x0  }
0x15e: {  	s1 =	rddreg [dreg:$0xe];
	[sflag:s13] =	ssyncadd.s32 $0xFFFF3000  }
0x15f: {  	[tilespmem:s12], [sflag:$0x2] =	stream.strided.gather [hbm4b:s1+s8], $0xD000, s9, s8, $0x38;
	[tilespmem:$0x1D000] =	vst v63  }
0x160: {  	_ =	swait.ge [sflag:s19], $0xD000  }
0x161: {  	[sflag:s19] =	ssyncset.done $0x0  }
0x162: {  	s1 =	rddreg [dreg:$0xf];
	[sflag:s19] =	ssyncadd.s32 $0xFFFF3000  }
0x163: {  	[hbm4b:s1+s8] =	stream.strided.scatter [tilespmem:s2], [sflag:$0x3], $0xD000, s9, s8, $0x38;
	[tilespmem:$0x1D000] =	vst v63  }
0x164: {  	_ =	swait.ge [sflag:s14], $0xD000  }
0x165: {  	[sflag:s14] =	ssyncset.done $0x0  }
0x166: {  	s1 =	rddreg [dreg:$0x10];
	[sflag:s14] =	ssyncadd.s32 $0xFFFF3000  }
0x167: {  	[tilespmem:s2], [sflag:$0x1] =	stream.strided.gather [hbm4b:s1+s8], $0xD000, s9, s8, $0x38;
	[tilespmem:$0x1D000] =	vst v63  }
0x168: {  	_ =	swait.ge [sflag:s18], $0xD000  }
0x169: {  	[sflag:s18] =	ssyncset.done $0x0  }
0x16a: {  	s1 =	rddreg [dreg:$0x11];
	[sflag:s18] =	ssyncadd.s32 $0xFFFF3000  }
0x16b: {  	[hbm4b:s1+s8] =	stream.strided.scatter [tilespmem:s12], [sflag:$0x4], $0xD000, s9, s8, $0x38;
	[tilespmem:$0x1D000] =	vst v63  }
0x16c: {  	_ =	swait.ge [sflag:s13], $0xD000  }
0x16d: {  	[sflag:s13] =	ssyncset.done $0x0  }
0x16e: {  	s1 =	rddreg [dreg:$0x12];
	[sflag:s13] =	ssyncadd.s32 $0xFFFF3000  }
0x16f: {  	[tilespmem:s12], [sflag:$0x2] =	stream.strided.gather [hbm4b:s1+s8], $0xD000, s9, s8, $0x38;
	[tilespmem:$0x1D000] =	vst v63  }
0x170: {  	_ =	swait.ge [sflag:s19], $0xD000  }
0x171: {  	[sflag:s19] =	ssyncset.done $0x0  }
0x172: {  	s1 =	rddreg [dreg:$0x13];
	[sflag:s19] =	ssyncadd.s32 $0xFFFF3000  }
0x173: {  	[hbm4b:s1+s8] =	stream.strided.scatter [tilespmem:s2], [sflag:$0x3], $0xD000, s9, s8, $0x38;
	[tilespmem:$0x1D000] =	vst v63  }
0x174: {  	_ =	swait.ge [sflag:s14], $0xD000  }
0x175: {  	[sflag:s14] =	ssyncset.done $0x0  }
0x176: {  	[sflag:s14] =	ssyncadd.s32 $0xFFFF3000  }
0x177: {  	[tilespmem:s2], [sflag:$0x1] =	stream.strided.gather [hbm4b:s31+s8], $0xD000, s9, s8, $0x38;
	[tilespmem:$0x1D000] =	vst v63  }
0x178: {  	_ =	swait.ge [sflag:s18], $0xD000  }
0x179: {  	[sflag:s18] =	ssyncset.done $0x0  }
0x17a: {  	[sflag:s18] =	ssyncadd.s32 $0xFFFF3000  }
0x17b: {  	[hbm4b:s30+s8] =	stream.strided.scatter [tilespmem:s12], [sflag:$0x4], $0xD000, s9, s8, $0x38;
	[tilespmem:$0x1D000] =	vst v63  }
0x17c: {  	_ =	swait.ge [sflag:s13], $0xD000  }
0x17d: {  	[sflag:s13] =	ssyncset.done $0x0  }
0x17e: {  	[sflag:s13] =	ssyncadd.s32 $0xFFFF3000  }
0x17f: {  	[tilespmem:s12], [sflag:$0x2] =	stream.strided.gather [hbm4b:s29+s8], $0xD000, s9, s8, $0x38;
	[tilespmem:$0x1D000] =	vst v63  }
0x180: {  	_ =	swait.ge [sflag:s19], $0xD000  }
0x181: {  	[sflag:s19] =	ssyncset.done $0x0  }
0x182: {  	[sflag:s19] =	ssyncadd.s32 $0xFFFF3000  }
0x183: {  	[hbm4b:s28+s8] =	stream.strided.scatter [tilespmem:s2], [sflag:$0x3], $0xD000, s9, s8, $0x38;
	[tilespmem:$0x1D000] =	vst v63  }
0x184: {  	_ =	swait.ge [sflag:s14], $0xD000  }
0x185: {  	[sflag:s14] =	ssyncset.done $0x0  }
0x186: {  	[sflag:s14] =	ssyncadd.s32 $0xFFFF3000  }
0x187: {  	[tilespmem:s2], [sflag:$0x1] =	stream.strided.gather [hbm4b:s26+s8], $0xD000, s9, s8, $0x38;
	[tilespmem:$0x1D000] =	vst v63  }
0x188: {  	_ =	swait.ge [sflag:s18], $0xD000  }
0x189: {  	[sflag:s18] =	ssyncset.done $0x0  }
0x18a: {  	[sflag:s18] =	ssyncadd.s32 $0xFFFF3000  }
0x18b: {  	[hbm4b:s25+s8] =	stream.strided.scatter [tilespmem:s12], [sflag:$0x4], $0xD000, s9, s8, $0x38;
	[tilespmem:$0x1D000] =	vst v63  }
0x18c: {  	_ =	swait.ge [sflag:s13], $0xD000  }
0x18d: {  	[sflag:s13] =	ssyncset.done $0x0  }
0x18e: {  	[sflag:s13] =	ssyncadd.s32 $0xFFFF3000  }
0x18f: {  	[tilespmem:s12], [sflag:$0x2] =	stream.strided.gather [hbm4b:s24+s8], $0xD000, s9, s8, $0x38;
	[tilespmem:$0x1D000] =	vst v63  }
0x190: {  	_ =	swait.ge [sflag:s19], $0xD000  }
0x191: {  	[sflag:s19] =	ssyncset.done $0x0  }
0x192: {  	[sflag:s19] =	ssyncadd.s32 $0xFFFF3000  }
0x193: {  	[hbm4b:s23+s8] =	stream.strided.scatter [tilespmem:s2], [sflag:$0x3], $0xD000, s9, s8, $0x38;
	[tilespmem:$0x1D000] =	vst v63  }
0x194: {  	_ =	swait.ge [sflag:s14], $0xD000  }
0x195: {  	[sflag:s14] =	ssyncset.done $0x0  }
0x196: {  	[sflag:s14] =	ssyncadd.s32 $0xFFFF3000  }
0x197: {  	[tilespmem:s2], [sflag:$0x1] =	stream.strided.gather [hbm4b:s22+s8], $0xD000, s9, s8, $0x38;
	[tilespmem:$0x1D000] =	vst v63  }
0x198: {  	_ =	swait.ge [sflag:s18], $0xD000  }
0x199: {  	[sflag:s18] =	ssyncset.done $0x0  }
0x19a: {  	[sflag:s18] =	ssyncadd.s32 $0xFFFF3000  }
0x19b: {  	[hbm4b:s21+s8] =	stream.strided.scatter [tilespmem:s12], [sflag:$0x4], $0xD000, s9, s8, $0x38;
	[tilespmem:$0x1D000] =	vst v63  }
0x19c: {  	_ =	swait.ge [sflag:s13], $0xD000  }
0x19d: {  	[sflag:s13] =	ssyncset.done $0x0  }
0x19e: {  	[sflag:s13] =	ssyncadd.s32 $0xFFFF3000  }
0x19f: {  	[tilespmem:s12], [sflag:$0x2] =	stream.strided.gather [hbm4b:s20+s8], $0xD000, s9, s8, $0x38;
	[tilespmem:$0x1D000] =	vst v63  }
0x1a0: {  	_ =	swait.ge [sflag:s19], $0xD000  }
0x1a1: {  	[sflag:s19] =	ssyncset.done $0x0  }
0x1a2: {  	[sflag:s19] =	ssyncadd.s32 $0xFFFF3000  }
0x1a3: {  	[hbm4b:s17+s8] =	stream.strided.scatter [tilespmem:s2], [sflag:$0x3], $0xD000, s9, s8, $0x38;
	[tilespmem:$0x1D000] =	vst v63  }
0x1a4: {  	_ =	swait.ge [sflag:s14], $0xD000  }
0x1a5: {  	[sflag:s14] =	ssyncset.done $0x0  }
0x1a6: {  	[sflag:s14] =	ssyncadd.s32 $0xFFFF3000  }
0x1a7: {  	[tilespmem:s2], [sflag:$0x1] =	stream.strided.gather [hbm4b:s16+s8], $0xD000, s9, s8, $0x38;
	[tilespmem:$0x1D000] =	vst v63  }
0x1a8: {  	_ =	swait.ge [sflag:s18], $0xD000  }
0x1a9: {  	[sflag:s18] =	ssyncset.done $0x0  }
0x1aa: {  	[sflag:s18] =	ssyncadd.s32 $0xFFFF3000  }
0x1ab: {  	[hbm4b:s15+s8] =	stream.strided.scatter [tilespmem:s12], [sflag:$0x4], $0xD000, s9, s8, $0x38;
	[tilespmem:$0x1D000] =	vst v63  }
0x1ac: {  	_ =	swait.ge [sflag:s13], $0xD000  }
0x1ad: {  	[sflag:s13] =	ssyncset.done $0x0  }
0x1ae: {  	[sflag:s13] =	ssyncadd.s32 $0xFFFF3000  }
0x1af: {  	[tilespmem:s12], [sflag:$0x2] =	stream.strided.gather [hbm4b:s11+s8], $0xD000, s9, s8, $0x38;
	[tilespmem:$0x1D000] =	vst v63  }
0x1b0: {  	_ =	swait.ge [sflag:s19], $0xD000  }
0x1b1: {  	[sflag:s19] =	ssyncset.done $0x0  }
0x1b2: {  	[sflag:s19] =	ssyncadd.s32 $0xFFFF3000  }
0x1b3: {  	[hbm4b:s7+s8] =	stream.strided.scatter [tilespmem:s2], [sflag:$0x3], $0xD000, s9, s8, $0x38;
	[tilespmem:$0x1D000] =	vst v63  }
0x1b4: {  	_ =	swait.ge [sflag:s18], $0xD000  }
0x1b5: {  	[sflag:s18] =	ssyncset.done $0x0  }
0x1b6: {  	[sflag:s18] =	ssyncadd.s32 $0xFFFF3000  }
0x1b7: {  	[hbm4b:s5+s8] =	stream.strided.scatter [tilespmem:s12], [sflag:$0x4], $0xD000, s9, s8, $0x38;
	[tilespmem:$0x1D000] =	vst v63  }
0x1b8: {  	_ =	swait.ge [sflag:s14], $0xD000  }
0x1b9: {  	[sflag:s14] =	ssyncset.done $0x0  }
0x1ba: {  	[sflag:s14] =	ssyncadd.s32 $0xFFFF3000  }
0x1bb: {  	_ =	swait.ge [sflag:s13], $0xD000  }
0x1bc: {  	[sflag:s13] =	ssyncset.done $0x0  }
0x1bd: {  	[sflag:s13] =	ssyncadd.s32 $0xFFFF3000  }
0x1be: {  	_ =	swait.ge [sflag:s10], $0x3000  }
0x1bf: {  	[sflag:s10] =	ssyncset.done $0x0  }
0x1c0: {  	[sflag:s10] =	ssyncadd.s32 $0xFFFFD000  }
0x1c1: {  	[hbm4b:s3+s2] =	stream.linear.scatter [tilespmem:s4], [sflag:$0x6], $0x3000, $0x38;
	[tilespmem:$0x1D000] =	vst v63  }
0x1c2: {  	_ =	swait.ge [sflag:s6], $0x3000  }
0x1c3: {  	[sflag:s6] =	ssyncset.done $0x0  }
0x1c4: {  	[sflag:s6] =	ssyncadd.s32 $0xFFFFD000  }
0x1c5: {  	_ =	sfence.sel $0x180000  }
0x1c6: {  	[bflag:$0x0] =	sbarrier.arrive $0xFFFF  }
0x1c7: {  	_ =	strace $0x90000047  }
0x1c8: {  	s31 =	stileid.u32;
	[bflag:$0x2] =	sbarrier.arrive $0xFFFF  }
0x1c9: {  	p0 =	sne.s32 s31, $0x0;
	s0 =	rddreg [dreg:$0x3]  }
0x1ca: {  	s0 =	sadd.s32 @!p0 $0x100000, s0  }
0x1cb: {  	[sflag:s0] =	ssyncadd.tile.s32 @!p0 $0x1;
	_ =	shalt  }
.Lfunc_end2:
_tile_overlayer_lowered:
.L_overlay_start_2:
0x1cc: {  	(tag) =	ssettag $0x2  }
0x1cd: {  	s0 =	rddreg [dreg:$0x0];
	s2 =	stileid.u32  }
0x1ce: {  	s1 =	rddreg [dreg:$0x1];
	p0 =	sne.s32 s2, $0x0  }
0x1cf: {  	s3 =	rddreg [dreg:$0x2];
	[bflag:$0x3] =	sbarrier.arrive $0xFFFF;
	s2 =	simm.s32 @!p0 $0x1C07  }
0x1d0: {  	[timem:s3], [sflag:s2] =	dma.local @!p0 [hbm:s0], s1  }
0x1d1: {  	s0 =	simm.s32 @!p0 $0x7  }
0x1d2: {  	_ =	swait.ge @!p0 [sflag:s0], s1  }
0x1d3: {  	s1 =	ssub.s32 @!p0 $0x0, s1;
	[sflag:s0] =	ssyncset.done @!p0 $0x0  }
0x1d4: {  	[sflag:s0] =	ssyncadd.s32 @!p0 s1  }
0x1d5: {  	[bflag:$0x3] =	sbarrier.arrive $0xFFFF  }
0x1d6: {  	_ =	shalt  }

</sc_bundles>
